<compile_context>
chip_gen: v7x
topology: tpu7x:2x2x1
jax: 0.10.2.dev20260603
libtpu: 0.0.44.dev20260713+nightly
codegen_flags: <defaults>
</compile_context>

<pallas_src>
import functools

import jax
import jax.numpy as jnp
from jax import lax
from jax.experimental import pallas as pl
from jax.experimental.pallas import tpu as pltpu
from jax.experimental.pallas import tpu_sc as plsc

N = 10000
E = 320000
D_IN = 128
D_H = 64
D2 = 16
D_P = 128
NC = 2
NS = 16
NT = NC * NS
B = 128
CH = (E + NT * B - 1) // (NT * B)
CH += CH % 2
E_PAD = NT * CH * B
N_PAD = 10112
RPT = N_PAD // NS

_f32 = jnp.float32


def _sc_scatter_add(D, gather):
    mesh = plsc.VectorSubcoreMesh(core_axis_name="c", subcore_axis_name="s")
    CHH = CH // 2
    if gather:
        scratch = [
            pltpu.VMEM((CHH, B), jnp.int32),
            pltpu.VMEM((CHH, B), jnp.int32),
            pltpu.VMEM((B, D), _f32),
            pltpu.VMEM((B, D), _f32),
            pltpu.SemaphoreType.DMA,
            pltpu.SemaphoreType.DMA,
            pltpu.VMEM_SHARED((N_PAD, D), _f32),
        ]
    else:
        scratch = [
            pltpu.VMEM((CH, B), jnp.int32),
            pltpu.VMEM((B, D), _f32),
            pltpu.VMEM_SHARED((N_PAD, D), _f32),
        ]

    def _body(vals_hbm, srcr_hbm, dstr_hbm, zeros_hbm, out_hbm, *scr):
        c = lax.axis_index("c")
        s = lax.axis_index("s")
        t = c * NS + s
        accum = scr[-1]
        pltpu.sync_copy(zeros_hbm.at[pl.ds(s * RPT, RPT)],
                        accum.at[pl.ds(s * RPT, RPT)])
        plsc.subcore_barrier()

        if gather:
            dst_v, src_v, rows0, rows1, sem0, sem1, _ = scr
            for p in range(2):
                pltpu.sync_copy(dstr_hbm.at[t].at[pl.ds(p * CHH, CHH)], dst_v)
                pltpu.sync_copy(srcr_hbm.at[t].at[pl.ds(p * CHH, CHH)], src_v)

                def pair(i, carry):
                    j0 = i * 2
                    j1 = j0 + 1
                    c0 = pltpu.async_copy(vals_hbm.at[src_v.at[j0]],
                                          rows0, sem0)
                    c1 = pltpu.async_copy(vals_hbm.at[src_v.at[j1]],
                                          rows1, sem1)
                    c0.wait()
                    pltpu.sync_copy(rows0, accum.at[dst_v.at[j0]], add=True)
                    c1.wait()
                    pltpu.sync_copy(rows1, accum.at[dst_v.at[j1]], add=True)
                    return carry

                lax.fori_loop(0, CHH // 2, pair, 0)
        else:
            dst_v, rows0, _ = scr
            pltpu.sync_copy(dstr_hbm.at[t], dst_v)
            pltpu.sync_copy(vals_hbm, rows0)

            def step(j, carry):
                pltpu.sync_copy(rows0, accum.at[dst_v.at[j]], add=True)
                return carry

            lax.fori_loop(0, CH, step, 0)
        plsc.subcore_barrier()
        pltpu.sync_copy(accum.at[pl.ds(s * RPT, RPT)],
                        out_hbm.at[c].at[pl.ds(s * RPT, RPT)])

    return functools.partial(
        pl.kernel,
        out_type=jax.ShapeDtypeStruct((NC, N_PAD, D), _f32),
        mesh=mesh,
        scratch_types=scratch,
    )(_body)


_sc_hist = _sc_scatter_add(D_P, gather=False)
_sc_scatter = _sc_scatter_add(D_P, gather=True)

_zpad = None


def _tc_first(degp_ref, x_ref, w1_ref, y1p_ref, dinv_ref):
    deg = 1.0 + degp_ref[0][:, :D2] + degp_ref[1][:, :D2]
    dinv = lax.rsqrt(deg)
    dinv_ref[...] = dinv
    xw = jnp.dot(x_ref[...], w1_ref[...], preferred_element_type=_f32)
    y1 = xw * dinv[:N, 0:1]
    y1p_ref[...] = jnp.concatenate(
        [y1, jnp.zeros((N, D_P - D_H), _f32)], axis=1)


def _tc_mid(segp_ref, y1p_ref, dinv_ref, b1_ref, g1_ref, be1_ref, zp_ref):
    dcol = dinv_ref[...][:N, 0:1]
    y1 = y1p_ref[...][:, :D_H]
    seg = segp_ref[0][:N, :D_H] + segp_ref[1][:N, :D_H] + y1
    hpre = seg * dcol + b1_ref[...]
    mean = jnp.mean(hpre, axis=0, keepdims=True)
    var = jnp.mean((hpre - mean) ** 2, axis=0, keepdims=True)
    h = (hpre - mean) * lax.rsqrt(var + 1e-5) * g1_ref[...] + be1_ref[...]
    h = jnp.maximum(h, 0.0)
    z = h * dcol
    zp_ref[...] = jnp.concatenate(
        [z, jnp.zeros((N, D_P - D_H), _f32)], axis=1)


def _tc_final(segp_ref, zp_ref, dinv_ref, w2_ref, b2_ref, o_ref):
    dcol = dinv_ref[...][:N, 0:1]
    z = zp_ref[...][:, :D_H]
    seg = (segp_ref[0][:N, :D_H] + segp_ref[1][:N, :D_H] + z) * dcol
    o_ref[...] = jnp.dot(seg, w2_ref[...],
                         preferred_element_type=_f32) + b2_ref[...]


def kernel(x, edge_index, W1, b1, gamma1, beta1, W2, b2):
    src = edge_index[0]
    dst = edge_index[1]
    pad = E_PAD - E
    src_r = jnp.concatenate(
        [src, jnp.zeros((pad,), jnp.int32)]).reshape(NT, CH, B)
    dst_r = jnp.concatenate(
        [dst, jnp.full((pad,), N, jnp.int32)]).reshape(NT, CH, B)
    z128 = jnp.zeros((N_PAD, D_P), _f32)
    ones128 = jnp.ones((B, D_P), _f32)
    w2p = jnp.pad(W2, ((0, 0), (0, D2 - W2.shape[1])))
    b1r = b1.reshape(1, D_H)
    g1r = gamma1.reshape(1, D_H)
    be1r = beta1.reshape(1, D_H)
    b2r = jnp.pad(b2, (0, D2 - b2.shape[0])).reshape(1, D2)

    degp = _sc_hist(ones128, src_r, dst_r, z128)

    y1p, dinv = pl.pallas_call(
        _tc_first,
        out_shape=[jax.ShapeDtypeStruct((N, D_P), _f32),
                   jax.ShapeDtypeStruct((N_PAD, D2), _f32)],
    )(degp, x, W1)

    seg1p = _sc_scatter(y1p, src_r, dst_r, z128)

    zp = pl.pallas_call(
        _tc_mid,
        out_shape=jax.ShapeDtypeStruct((N, D_P), _f32),
    )(seg1p, y1p, dinv, b1r, g1r, be1r)

    seg2p = _sc_scatter(zp, src_r, dst_r, z128)

    out8 = pl.pallas_call(
        _tc_final,
        out_shape=jax.ShapeDtypeStruct((N, D2), _f32),
    )(seg2p, zp, dinv, w2p, b2r)

    return out8[:, :2]

# --- scband reference (transcript-rebuilt; emitter-appended) ---
"""Pipeline reference for scband-gnnmodel-27900107555264 (READ-ONLY COPY).

The authoritative reference and input builder live on the scoring server;
editing this copy changes nothing except your own understanding.
"""

import jax, jax.numpy as jnp
import numpy as np

N = 10000
E = 320000
D_IN = 128
D_H = 64
D_OUT = 2


def setup_inputs(seed: int = 0) -> dict:
    key = jax.random.key(seed)
    ks = jax.random.split(key, 8)
    x = jax.random.normal(ks[0], (N, D_IN), dtype=jnp.float32)
    edge_index = jax.random.randint(ks[1], (2, E), 0, N, dtype=jnp.int32)
    W1 = jax.random.normal(ks[2], (D_IN, D_H), dtype=jnp.float32) * (1.0 / np.sqrt(D_IN))
    b1 = jnp.zeros((D_H,), dtype=jnp.float32)
    gamma1 = jnp.ones((D_H,), dtype=jnp.float32)
    beta1 = jnp.zeros((D_H,), dtype=jnp.float32)
    W2 = jax.random.normal(ks[3], (D_H, D_OUT), dtype=jnp.float32) * (1.0 / np.sqrt(D_H))
    b2 = jnp.zeros((D_OUT,), dtype=jnp.float32)
    return {"x": x, "edge_index": edge_index, "W1": W1, "b1": b1,
            "gamma1": gamma1, "beta1": beta1, "W2": W2, "b2": b2}


def _gcn_conv(x, W, b, src, dst, n):
    # GCNConv (PyG defaults): add self-loops, symmetric normalization
    xw = x @ W
    loop = jnp.arange(n, dtype=src.dtype)
    src2 = jnp.concatenate([src, loop])
    dst2 = jnp.concatenate([dst, loop])
    deg = jnp.zeros((n,), dtype=xw.dtype).at[dst2].add(1.0)
    dinv = jax.lax.rsqrt(deg)
    norm = dinv[src2] * dinv[dst2]
    msg = xw[src2] * norm[:, None]
    out = jnp.zeros((n, xw.shape[1]), dtype=xw.dtype).at[dst2].add(msg)
    return out + b


def reference(x, edge_index, W1, b1, gamma1, beta1, W2, b2):
    src = edge_index[0]
    dst = edge_index[1]
    n = x.shape[0]
    h = _gcn_conv(x, W1, b1, src, dst, n)
    # BatchNorm1d (training-mode batch statistics, eps=1e-5)
    mean = jnp.mean(h, axis=0)
    var = jnp.mean((h - mean) ** 2, axis=0)
    h = (h - mean) / jnp.sqrt(var + 1e-5) * gamma1 + beta1
    h = jax.nn.relu(h)
    # dropout is identity in deterministic/eval reference
    out = _gcn_conv(h, W2, b2, src, dst, n)
    return out

if __name__ == "__main__":
    import jax
    _d = setup_inputs()
    print(jax.jit(kernel)(*tuple(_d.values())))

</pallas_src>

<mosaic_0001>
#map = affine_map<(d0, d1) -> (0, 0)>
#map1 = affine_map<(d0, d1) -> (0, 0, 0)>
module attributes {stable_mosaic.version = 14 : i64} {
  func.func @_body(%arg0: i32, %arg1: i32, %arg2: memref<128x128xf32, #tpu.memory_space<hbm>>, %arg3: memref<32x80x128xi32, #tpu.memory_space<hbm>>, %arg4: memref<32x80x128xi32, #tpu.memory_space<hbm>>, %arg5: memref<10112x128xf32, #tpu.memory_space<hbm>>, %arg6: memref<2x10112x128xf32, #tpu.memory_space<hbm>>, %arg7: memref<80x128xi32, #tpu.memory_space<vmem>>, %arg8: memref<128x128xf32, #tpu.memory_space<vmem>>, %arg9: memref<10112x128xf32, #tpu.memory_space<vmem_shared>>) attributes {dimension_semantics = [#tpu.dimension_semantics<core_parallel>, #tpu.dimension_semantics<subcore_parallel>], iteration_bounds = array<i64: 2, 16>, scalar_prefetch = 0 : i64, scratch_operands = 3 : i64, tpu.core_type = #tpu.core_type<sc_vector_subcore>, window_params = [{transform_indices = #map}, {transform_indices = #map1}, {transform_indices = #map1}, {transform_indices = #map}, {transform_indices = #map1}]} {
    %mul3A = arith.constant 16 : i32
    %mul3A_0 = arith.muli %arg0, %mul3A : i32
    %add3A = arith.addi %mul3A_0, %arg1 : i32
    %mul3A_1 = arith.constant 632 : i32
    %mul3A_2 = arith.muli %arg1, %mul3A_1 : i32
    %mul3A_3 = arith.constant 632 : i32
    %mul3A_4 = arith.muli %arg1, %mul3A_3 : i32
    "tpu.region"() ({
      %run_scoped3A = tpu.sem_alloc : memref<!tpu.dma_semaphore, #tpu.memory_space<semaphore_mem>>
      %dma_start3A = arith.constant 0 : i32
      %dma_start3A_15 = tpu.memref_slice %arg9[%mul3A_4, %dma_start3A] : memref<10112x128xf32, #tpu.memory_space<vmem_shared>> -> memref<632x128xf32, #tpu.memory_space<vmem_shared>>
      %dma_start3A_16 = arith.constant 0 : i32
      %dma_start3A_17 = tpu.memref_slice %arg5[%mul3A_2, %dma_start3A_16] : memref<10112x128xf32, #tpu.memory_space<hbm>> -> memref<632x128xf32, #tpu.memory_space<hbm>>
      tpu.enqueue_dma source(%dma_start3A_17 : memref<632x128xf32, #tpu.memory_space<hbm>>) target(%dma_start3A_15 : memref<632x128xf32, #tpu.memory_space<vmem_shared>>) target_semaphore(%run_scoped3A : memref<!tpu.dma_semaphore, #tpu.memory_space<semaphore_mem>>)
      %dma_wait3A = arith.constant 0 : i32
      %dma_wait3A_18 = tpu.memref_slice %arg9[%mul3A_4, %dma_wait3A] : memref<10112x128xf32, #tpu.memory_space<vmem_shared>> -> memref<632x128xf32, #tpu.memory_space<vmem_shared>>
      %dma_wait3A_19 = arith.constant 0 : i32
      %dma_wait3A_20 = tpu.memref_slice %arg5[%mul3A_2, %dma_wait3A_19] : memref<10112x128xf32, #tpu.memory_space<hbm>> -> memref<632x128xf32, #tpu.memory_space<hbm>>
      tpu.wait_dma2 semaphore(%run_scoped3A : memref<!tpu.dma_semaphore, #tpu.memory_space<semaphore_mem>>) src(%dma_wait3A_20 : memref<632x128xf32, #tpu.memory_space<hbm>>) dst(%dma_wait3A_18 : memref<632x128xf32, #tpu.memory_space<vmem_shared>>)
      tpu.yield
    }) : () -> ()
    %barrier3A = arith.constant 0 : index
    tpu.barrier barrier_id(%barrier3A)
    "tpu.region"() ({
      %run_scoped3A = tpu.sem_alloc : memref<!tpu.dma_semaphore, #tpu.memory_space<semaphore_mem>>
      %dma_start3A = arith.constant 0 : i32
      %dma_start3A_15 = arith.constant 0 : i32
      %dma_start3A_16 = tpu.memref_slice %arg4[%add3A, %dma_start3A, %dma_start3A_15] : memref<32x80x128xi32, #tpu.memory_space<hbm>> -> memref<1x80x128xi32, #tpu.memory_space<hbm>>
      %dma_start3A_17 = tpu.memref_squeeze %dma_start3A_16 : memref<1x80x128xi32, #tpu.memory_space<hbm>> -> memref<80x128xi32, #tpu.memory_space<hbm>>
      %dma_start3A_18 = arith.constant 0 : i32
      %dma_start3A_19 = arith.constant 0 : i32
      %dma_start3A_20 = tpu.memref_slice %arg4[%add3A, %dma_start3A_18, %dma_start3A_19] : memref<32x80x128xi32, #tpu.memory_space<hbm>> -> memref<1x80x128xi32, #tpu.memory_space<hbm>>
      %dma_start3A_21 = tpu.memref_squeeze %dma_start3A_20 : memref<1x80x128xi32, #tpu.memory_space<hbm>> -> memref<80x128xi32, #tpu.memory_space<hbm>>
      tpu.enqueue_dma source(%dma_start3A_21 : memref<80x128xi32, #tpu.memory_space<hbm>>) target(%arg7 : memref<80x128xi32, #tpu.memory_space<vmem>>) target_semaphore(%run_scoped3A : memref<!tpu.dma_semaphore, #tpu.memory_space<semaphore_mem>>)
      %dma_wait3A = arith.constant 0 : i32
      %dma_wait3A_22 = arith.constant 0 : i32
      %dma_wait3A_23 = tpu.memref_slice %arg4[%add3A, %dma_wait3A, %dma_wait3A_22] : memref<32x80x128xi32, #tpu.memory_space<hbm>> -> memref<1x80x128xi32, #tpu.memory_space<hbm>>
      %dma_wait3A_24 = tpu.memref_squeeze %dma_wait3A_23 : memref<1x80x128xi32, #tpu.memory_space<hbm>> -> memref<80x128xi32, #tpu.memory_space<hbm>>
      %dma_wait3A_25 = arith.constant 0 : i32
      %dma_wait3A_26 = arith.constant 0 : i32
      %dma_wait3A_27 = tpu.memref_slice %arg4[%add3A, %dma_wait3A_25, %dma_wait3A_26] : memref<32x80x128xi32, #tpu.memory_space<hbm>> -> memref<1x80x128xi32, #tpu.memory_space<hbm>>
      %dma_wait3A_28 = tpu.memref_squeeze %dma_wait3A_27 : memref<1x80x128xi32, #tpu.memory_space<hbm>> -> memref<80x128xi32, #tpu.memory_space<hbm>>
      tpu.wait_dma2 semaphore(%run_scoped3A : memref<!tpu.dma_semaphore, #tpu.memory_space<semaphore_mem>>) src(%dma_wait3A_28 : memref<80x128xi32, #tpu.memory_space<hbm>>) dst(%arg7 : memref<80x128xi32, #tpu.memory_space<vmem>>)
      tpu.yield
    }) : () -> ()
    "tpu.region"() ({
      %run_scoped3A = tpu.sem_alloc : memref<!tpu.dma_semaphore, #tpu.memory_space<semaphore_mem>>
      tpu.enqueue_dma source(%arg2 : memref<128x128xf32, #tpu.memory_space<hbm>>) target(%arg8 : memref<128x128xf32, #tpu.memory_space<vmem>>) target_semaphore(%run_scoped3A : memref<!tpu.dma_semaphore, #tpu.memory_space<semaphore_mem>>)
      tpu.wait_dma2 semaphore(%run_scoped3A : memref<!tpu.dma_semaphore, #tpu.memory_space<semaphore_mem>>) src(%arg2 : memref<128x128xf32, #tpu.memory_space<hbm>>) dst(%arg8 : memref<128x128xf32, #tpu.memory_space<vmem>>)
      tpu.yield
    }) : () -> ()
    %scan3A = arith.constant 0 : i32
    %scan3A_5 = arith.constant 0 : i32
    %scan3A_6 = arith.constant 80 : i32
    %scan3A_7 = arith.addi %scan3A_5, %scan3A_6 : i32
    %scan3A_8 = arith.constant 1 : i32
    scf.for %scan3A_15 = %scan3A_5 to %scan3A_7 step %scan3A_8  : i32 {
      "tpu.region"() ({
        %run_scoped3A = tpu.sem_alloc : memref<!tpu.dma_semaphore, #tpu.memory_space<semaphore_mem>>
        %dma_start3A = arith.constant 0 : i32
        %dma_start3A_16 = tpu.memref_slice %arg7[%scan3A_15, %dma_start3A] : memref<80x128xi32, #tpu.memory_space<vmem>> -> memref<1x128xi32, #tpu.memory_space<vmem>>
        %dma_start3A_17 = tpu.memref_squeeze %dma_start3A_16 : memref<1x128xi32, #tpu.memory_space<vmem>> -> memref<128xi32, #tpu.memory_space<vmem>>
        %dma_start3A_18 = arith.constant 0 : i32
        %dma_start3A_19 = arith.constant 0 : i32
        %dma_start3A_20 = tpu.memref_slice %arg9[%dma_start3A_18, %dma_start3A_19] : memref<10112x128xf32, #tpu.memory_space<vmem_shared>> -> memref<10112x128xf32, #tpu.memory_space<vmem_shared>>
        tpu.enqueue_indirect_dma source(%arg8 : memref<128x128xf32, #tpu.memory_space<vmem>>) target(%dma_start3A_20 : memref<10112x128xf32, #tpu.memory_space<vmem_shared>>) offsets(%dma_start3A_17 : memref<128xi32, #tpu.memory_space<vmem>>) semaphore(%run_scoped3A : memref<!tpu.dma_semaphore, #tpu.memory_space<semaphore_mem>>) {add = true}
        %dma_wait3A = arith.constant 0 : i32
        %dma_wait3A_21 = tpu.memref_slice %arg7[%scan3A_15, %dma_wait3A] : memref<80x128xi32, #tpu.memory_space<vmem>> -> memref<1x128xi32, #tpu.memory_space<vmem>>
        %dma_wait3A_22 = tpu.memref_squeeze %dma_wait3A_21 : memref<1x128xi32, #tpu.memory_space<vmem>> -> memref<128xi32, #tpu.memory_space<vmem>>
        %dma_wait3A_23 = arith.constant 0 : i32
        %dma_wait3A_24 = arith.constant 0 : i32
        %dma_wait3A_25 = tpu.memref_slice %arg9[%dma_wait3A_23, %dma_wait3A_24] : memref<10112x128xf32, #tpu.memory_space<vmem_shared>> -> memref<10112x128xf32, #tpu.memory_space<vmem_shared>>
        tpu.wait_indirect_dma semaphore(%run_scoped3A : memref<!tpu.dma_semaphore, #tpu.memory_space<semaphore_mem>>) src(%arg8 : memref<128x128xf32, #tpu.memory_space<vmem>>) dst(%dma_wait3A_25 : memref<10112x128xf32, #tpu.memory_space<vmem_shared>>)
        tpu.yield
      }) : () -> ()
    }
    %scan3A_9 = arith.constant 80 : i32
    %barrier3A_10 = arith.constant 0 : index
    tpu.barrier barrier_id(%barrier3A_10)
    %mul3A_11 = arith.constant 632 : i32
    %mul3A_12 = arith.muli %arg1, %mul3A_11 : i32
    %mul3A_13 = arith.constant 632 : i32
    %mul3A_14 = arith.muli %arg1, %mul3A_13 : i32
    "tpu.region"() ({
      %run_scoped3A = tpu.sem_alloc : memref<!tpu.dma_semaphore, #tpu.memory_space<semaphore_mem>>
      %dma_start3A = arith.constant 0 : i32
      %dma_start3A_15 = arith.constant 0 : i32
      %dma_start3A_16 = tpu.memref_slice %arg6[%arg0, %dma_start3A, %dma_start3A_15] : memref<2x10112x128xf32, #tpu.memory_space<hbm>> -> memref<1x10112x128xf32, #tpu.memory_space<hbm>>
      %dma_start3A_17 = tpu.memref_squeeze %dma_start3A_16 : memref<1x10112x128xf32, #tpu.memory_space<hbm>> -> memref<10112x128xf32, #tpu.memory_space<hbm>>
      %dma_start3A_18 = arith.constant 0 : i32
      %dma_start3A_19 = tpu.memref_slice %dma_start3A_17[%mul3A_14, %dma_start3A_18] : memref<10112x128xf32, #tpu.memory_space<hbm>> -> memref<632x128xf32, #tpu.memory_space<hbm>>
      %dma_start3A_20 = arith.constant 0 : i32
      %dma_start3A_21 = tpu.memref_slice %arg9[%mul3A_12, %dma_start3A_20] : memref<10112x128xf32, #tpu.memory_space<vmem_shared>> -> memref<632x128xf32, #tpu.memory_space<vmem_shared>>
      tpu.enqueue_dma source(%dma_start3A_21 : memref<632x128xf32, #tpu.memory_space<vmem_shared>>) target(%dma_start3A_19 : memref<632x128xf32, #tpu.memory_space<hbm>>) target_semaphore(%run_scoped3A : memref<!tpu.dma_semaphore, #tpu.memory_space<semaphore_mem>>)
      %dma_wait3A = arith.constant 0 : i32
      %dma_wait3A_22 = arith.constant 0 : i32
      %dma_wait3A_23 = tpu.memref_slice %arg6[%arg0, %dma_wait3A, %dma_wait3A_22] : memref<2x10112x128xf32, #tpu.memory_space<hbm>> -> memref<1x10112x128xf32, #tpu.memory_space<hbm>>
      %dma_wait3A_24 = tpu.memref_squeeze %dma_wait3A_23 : memref<1x10112x128xf32, #tpu.memory_space<hbm>> -> memref<10112x128xf32, #tpu.memory_space<hbm>>
      %dma_wait3A_25 = arith.constant 0 : i32
      %dma_wait3A_26 = tpu.memref_slice %dma_wait3A_24[%mul3A_14, %dma_wait3A_25] : memref<10112x128xf32, #tpu.memory_space<hbm>> -> memref<632x128xf32, #tpu.memory_space<hbm>>
      %dma_wait3A_27 = arith.constant 0 : i32
      %dma_wait3A_28 = tpu.memref_slice %arg9[%mul3A_12, %dma_wait3A_27] : memref<10112x128xf32, #tpu.memory_space<vmem_shared>> -> memref<632x128xf32, #tpu.memory_space<vmem_shared>>
      tpu.wait_dma2 semaphore(%run_scoped3A : memref<!tpu.dma_semaphore, #tpu.memory_space<semaphore_mem>>) src(%dma_wait3A_28 : memref<632x128xf32, #tpu.memory_space<vmem_shared>>) dst(%dma_wait3A_26 : memref<632x128xf32, #tpu.memory_space<hbm>>)
      tpu.yield
    }) : () -> ()
    return
  }
}

#map = affine_map<(d0, d1) -> (0, 0)>
#map1 = affine_map<(d0, d1) -> (0, 0, 0)>
module attributes {stable_mosaic.version = 14 : i64} {
  func.func @_body(%arg0: i32, %arg1: i32, %arg2: memref<10000x128xf32, #tpu.memory_space<hbm>>, %arg3: memref<32x80x128xi32, #tpu.memory_space<hbm>>, %arg4: memref<32x80x128xi32, #tpu.memory_space<hbm>>, %arg5: memref<10112x128xf32, #tpu.memory_space<hbm>>, %arg6: memref<2x10112x128xf32, #tpu.memory_space<hbm>>, %arg7: memref<40x128xi32, #tpu.memory_space<vmem>>, %arg8: memref<40x128xi32, #tpu.memory_space<vmem>>, %arg9: memref<128x128xf32, #tpu.memory_space<vmem>>, %arg10: memref<128x128xf32, #tpu.memory_space<vmem>>, %arg11: memref<!tpu.dma_semaphore, #tpu.memory_space<semaphore_mem>>, %arg12: memref<!tpu.dma_semaphore, #tpu.memory_space<semaphore_mem>>, %arg13: memref<10112x128xf32, #tpu.memory_space<vmem_shared>>) attributes {dimension_semantics = [#tpu.dimension_semantics<core_parallel>, #tpu.dimension_semantics<subcore_parallel>], iteration_bounds = array<i64: 2, 16>, scalar_prefetch = 0 : i64, scratch_operands = 7 : i64, tpu.core_type = #tpu.core_type<sc_vector_subcore>, window_params = [{transform_indices = #map}, {transform_indices = #map1}, {transform_indices = #map1}, {transform_indices = #map}, {transform_indices = #map1}]} {
    %mul3A = arith.constant 16 : i32
    %mul3A_0 = arith.muli %arg0, %mul3A : i32
    %add3A = arith.addi %mul3A_0, %arg1 : i32
    %mul3A_1 = arith.constant 632 : i32
    %mul3A_2 = arith.muli %arg1, %mul3A_1 : i32
    %mul3A_3 = arith.constant 632 : i32
    %mul3A_4 = arith.muli %arg1, %mul3A_3 : i32
    "tpu.region"() ({
      %run_scoped3A = tpu.sem_alloc : memref<!tpu.dma_semaphore, #tpu.memory_space<semaphore_mem>>
      %dma_start3A = arith.constant 0 : i32
      %dma_start3A_21 = tpu.memref_slice %arg13[%mul3A_4, %dma_start3A] : memref<10112x128xf32, #tpu.memory_space<vmem_shared>> -> memref<632x128xf32, #tpu.memory_space<vmem_shared>>
      %dma_start3A_22 = arith.constant 0 : i32
      %dma_start3A_23 = tpu.memref_slice %arg5[%mul3A_2, %dma_start3A_22] : memref<10112x128xf32, #tpu.memory_space<hbm>> -> memref<632x128xf32, #tpu.memory_space<hbm>>
      tpu.enqueue_dma source(%dma_start3A_23 : memref<632x128xf32, #tpu.memory_space<hbm>>) target(%dma_start3A_21 : memref<632x128xf32, #tpu.memory_space<vmem_shared>>) target_semaphore(%run_scoped3A : memref<!tpu.dma_semaphore, #tpu.memory_space<semaphore_mem>>)
      %dma_wait3A = arith.constant 0 : i32
      %dma_wait3A_24 = tpu.memref_slice %arg13[%mul3A_4, %dma_wait3A] : memref<10112x128xf32, #tpu.memory_space<vmem_shared>> -> memref<632x128xf32, #tpu.memory_space<vmem_shared>>
      %dma_wait3A_25 = arith.constant 0 : i32
      %dma_wait3A_26 = tpu.memref_slice %arg5[%mul3A_2, %dma_wait3A_25] : memref<10112x128xf32, #tpu.memory_space<hbm>> -> memref<632x128xf32, #tpu.memory_space<hbm>>
      tpu.wait_dma2 semaphore(%run_scoped3A : memref<!tpu.dma_semaphore, #tpu.memory_space<semaphore_mem>>) src(%dma_wait3A_26 : memref<632x128xf32, #tpu.memory_space<hbm>>) dst(%dma_wait3A_24 : memref<632x128xf32, #tpu.memory_space<vmem_shared>>)
      tpu.yield
    }) : () -> ()
    %barrier3A = arith.constant 0 : index
    tpu.barrier barrier_id(%barrier3A)
    "tpu.region"() ({
      %run_scoped3A = tpu.sem_alloc : memref<!tpu.dma_semaphore, #tpu.memory_space<semaphore_mem>>
      %dma_start3A = arith.constant 0 : i32
      %dma_start3A_21 = arith.constant 0 : i32
      %dma_start3A_22 = tpu.memref_slice %arg4[%add3A, %dma_start3A, %dma_start3A_21] : memref<32x80x128xi32, #tpu.memory_space<hbm>> -> memref<1x80x128xi32, #tpu.memory_space<hbm>>
      %dma_start3A_23 = tpu.memref_squeeze %dma_start3A_22 : memref<1x80x128xi32, #tpu.memory_space<hbm>> -> memref<80x128xi32, #tpu.memory_space<hbm>>
      %dma_start3A_24 = arith.constant 0 : i32
      %dma_start3A_25 = arith.constant 0 : i32
      %dma_start3A_26 = tpu.memref_slice %dma_start3A_23[%dma_start3A_24, %dma_start3A_25] : memref<80x128xi32, #tpu.memory_space<hbm>> -> memref<40x128xi32, #tpu.memory_space<hbm>>
      %dma_start3A_27 = arith.constant 0 : i32
      %dma_start3A_28 = arith.constant 0 : i32
      %dma_start3A_29 = tpu.memref_slice %arg4[%add3A, %dma_start3A_27, %dma_start3A_28] : memref<32x80x128xi32, #tpu.memory_space<hbm>> -> memref<1x80x128xi32, #tpu.memory_space<hbm>>
      %dma_start3A_30 = tpu.memref_squeeze %dma_start3A_29 : memref<1x80x128xi32, #tpu.memory_space<hbm>> -> memref<80x128xi32, #tpu.memory_space<hbm>>
      %dma_start3A_31 = arith.constant 0 : i32
      %dma_start3A_32 = arith.constant 0 : i32
      %dma_start3A_33 = tpu.memref_slice %dma_start3A_30[%dma_start3A_31, %dma_start3A_32] : memref<80x128xi32, #tpu.memory_space<hbm>> -> memref<40x128xi32, #tpu.memory_space<hbm>>
      tpu.enqueue_dma source(%dma_start3A_33 : memref<40x128xi32, #tpu.memory_space<hbm>>) target(%arg7 : memref<40x128xi32, #tpu.memory_space<vmem>>) target_semaphore(%run_scoped3A : memref<!tpu.dma_semaphore, #tpu.memory_space<semaphore_mem>>)
      %dma_wait3A = arith.constant 0 : i32
      %dma_wait3A_34 = arith.constant 0 : i32
      %dma_wait3A_35 = tpu.memref_slice %arg4[%add3A, %dma_wait3A, %dma_wait3A_34] : memref<32x80x128xi32, #tpu.memory_space<hbm>> -> memref<1x80x128xi32, #tpu.memory_space<hbm>>
      %dma_wait3A_36 = tpu.memref_squeeze %dma_wait3A_35 : memref<1x80x128xi32, #tpu.memory_space<hbm>> -> memref<80x128xi32, #tpu.memory_space<hbm>>
      %dma_wait3A_37 = arith.constant 0 : i32
      %dma_wait3A_38 = arith.constant 0 : i32
      %dma_wait3A_39 = tpu.memref_slice %dma_wait3A_36[%dma_wait3A_37, %dma_wait3A_38] : memref<80x128xi32, #tpu.memory_space<hbm>> -> memref<40x128xi32, #tpu.memory_space<hbm>>
      %dma_wait3A_40 = arith.constant 0 : i32
      %dma_wait3A_41 = arith.constant 0 : i32
      %dma_wait3A_42 = tpu.memref_slice %arg4[%add3A, %dma_wait3A_40, %dma_wait3A_41] : memref<32x80x128xi32, #tpu.memory_space<hbm>> -> memref<1x80x128xi32, #tpu.memory_space<hbm>>
      %dma_wait3A_43 = tpu.memref_squeeze %dma_wait3A_42 : memref<1x80x128xi32, #tpu.memory_space<hbm>> -> memref<80x128xi32, #tpu.memory_space<hbm>>
      %dma_wait3A_44 = arith.constant 0 : i32
      %dma_wait3A_45 = arith.constant 0 : i32
      %dma_wait3A_46 = tpu.memref_slice %dma_wait3A_43[%dma_wait3A_44, %dma_wait3A_45] : memref<80x128xi32, #tpu.memory_space<hbm>> -> memref<40x128xi32, #tpu.memory_space<hbm>>
      tpu.wait_dma2 semaphore(%run_scoped3A : memref<!tpu.dma_semaphore, #tpu.memory_space<semaphore_mem>>) src(%dma_wait3A_46 : memref<40x128xi32, #tpu.memory_space<hbm>>) dst(%arg7 : memref<40x128xi32, #tpu.memory_space<vmem>>)
      tpu.yield
    }) : () -> ()
    "tpu.region"() ({
      %run_scoped3A = tpu.sem_alloc : memref<!tpu.dma_semaphore, #tpu.memory_space<semaphore_mem>>
      %dma_start3A = arith.constant 0 : i32
      %dma_start3A_21 = arith.constant 0 : i32
      %dma_start3A_22 = tpu.memref_slice %arg3[%add3A, %dma_start3A, %dma_start3A_21] : memref<32x80x128xi32, #tpu.memory_space<hbm>> -> memref<1x80x128xi32, #tpu.memory_space<hbm>>
      %dma_start3A_23 = tpu.memref_squeeze %dma_start3A_22 : memref<1x80x128xi32, #tpu.memory_space<hbm>> -> memref<80x128xi32, #tpu.memory_space<hbm>>
      %dma_start3A_24 = arith.constant 0 : i32
      %dma_start3A_25 = arith.constant 0 : i32
      %dma_start3A_26 = tpu.memref_slice %dma_start3A_23[%dma_start3A_24, %dma_start3A_25] : memref<80x128xi32, #tpu.memory_space<hbm>> -> memref<40x128xi32, #tpu.memory_space<hbm>>
      %dma_start3A_27 = arith.constant 0 : i32
      %dma_start3A_28 = arith.constant 0 : i32
      %dma_start3A_29 = tpu.memref_slice %arg3[%add3A, %dma_start3A_27, %dma_start3A_28] : memref<32x80x128xi32, #tpu.memory_space<hbm>> -> memref<1x80x128xi32, #tpu.memory_space<hbm>>
      %dma_start3A_30 = tpu.memref_squeeze %dma_start3A_29 : memref<1x80x128xi32, #tpu.memory_space<hbm>> -> memref<80x128xi32, #tpu.memory_space<hbm>>
      %dma_start3A_31 = arith.constant 0 : i32
      %dma_start3A_32 = arith.constant 0 : i32
      %dma_start3A_33 = tpu.memref_slice %dma_start3A_30[%dma_start3A_31, %dma_start3A_32] : memref<80x128xi32, #tpu.memory_space<hbm>> -> memref<40x128xi32, #tpu.memory_space<hbm>>
      tpu.enqueue_dma source(%dma_start3A_33 : memref<40x128xi32, #tpu.memory_space<hbm>>) target(%arg8 : memref<40x128xi32, #tpu.memory_space<vmem>>) target_semaphore(%run_scoped3A : memref<!tpu.dma_semaphore, #tpu.memory_space<semaphore_mem>>)
      %dma_wait3A = arith.constant 0 : i32
      %dma_wait3A_34 = arith.constant 0 : i32
      %dma_wait3A_35 = tpu.memref_slice %arg3[%add3A, %dma_wait3A, %dma_wait3A_34] : memref<32x80x128xi32, #tpu.memory_space<hbm>> -> memref<1x80x128xi32, #tpu.memory_space<hbm>>
      %dma_wait3A_36 = tpu.memref_squeeze %dma_wait3A_35 : memref<1x80x128xi32, #tpu.memory_space<hbm>> -> memref<80x128xi32, #tpu.memory_space<hbm>>
      %dma_wait3A_37 = arith.constant 0 : i32
      %dma_wait3A_38 = arith.constant 0 : i32
      %dma_wait3A_39 = tpu.memref_slice %dma_wait3A_36[%dma_wait3A_37, %dma_wait3A_38] : memref<80x128xi32, #tpu.memory_space<hbm>> -> memref<40x128xi32, #tpu.memory_space<hbm>>
      %dma_wait3A_40 = arith.constant 0 : i32
      %dma_wait3A_41 = arith.constant 0 : i32
      %dma_wait3A_42 = tpu.memref_slice %arg3[%add3A, %dma_wait3A_40, %dma_wait3A_41] : memref<32x80x128xi32, #tpu.memory_space<hbm>> -> memref<1x80x128xi32, #tpu.memory_space<hbm>>
      %dma_wait3A_43 = tpu.memref_squeeze %dma_wait3A_42 : memref<1x80x128xi32, #tpu.memory_space<hbm>> -> memref<80x128xi32, #tpu.memory_space<hbm>>
      %dma_wait3A_44 = arith.constant 0 : i32
      %dma_wait3A_45 = arith.constant 0 : i32
      %dma_wait3A_46 = tpu.memref_slice %dma_wait3A_43[%dma_wait3A_44, %dma_wait3A_45] : memref<80x128xi32, #tpu.memory_space<hbm>> -> memref<40x128xi32, #tpu.memory_space<hbm>>
      tpu.wait_dma2 semaphore(%run_scoped3A : memref<!tpu.dma_semaphore, #tpu.memory_space<semaphore_mem>>) src(%dma_wait3A_46 : memref<40x128xi32, #tpu.memory_space<hbm>>) dst(%arg8 : memref<40x128xi32, #tpu.memory_space<vmem>>)
      tpu.yield
    }) : () -> ()
    %scan3A = arith.constant 0 : i32
    %scan3A_5 = arith.constant 0 : i32
    %scan3A_6 = arith.constant 20 : i32
    %scan3A_7 = arith.addi %scan3A_5, %scan3A_6 : i32
    %scan3A_8 = arith.constant 1 : i32
    scf.for %scan3A_21 = %scan3A_5 to %scan3A_7 step %scan3A_8  : i32 {
      %mul3A_22 = arith.constant 2 : i32
      %mul3A_23 = arith.muli %scan3A_21, %mul3A_22 : i32
      %add3A_24 = arith.constant 1 : i32
      %add3A_25 = arith.addi %mul3A_23, %add3A_24 : i32
      %dma_start3A = arith.constant 0 : i32
      %dma_start3A_26 = tpu.memref_slice %arg8[%mul3A_23, %dma_start3A] : memref<40x128xi32, #tpu.memory_space<vmem>> -> memref<1x128xi32, #tpu.memory_space<vmem>>
      %dma_start3A_27 = tpu.memref_squeeze %dma_start3A_26 : memref<1x128xi32, #tpu.memory_space<vmem>> -> memref<128xi32, #tpu.memory_space<vmem>>
      %dma_start3A_28 = arith.constant 0 : i32
      %dma_start3A_29 = arith.constant 0 : i32
      %dma_start3A_30 = tpu.memref_slice %arg2[%dma_start3A_28, %dma_start3A_29] : memref<10000x128xf32, #tpu.memory_space<hbm>> -> memref<10000x128xf32, #tpu.memory_space<hbm>>
      tpu.enqueue_indirect_dma source(%dma_start3A_30 : memref<10000x128xf32, #tpu.memory_space<hbm>>) target(%arg9 : memref<128x128xf32, #tpu.memory_space<vmem>>) offsets(%dma_start3A_27 : memref<128xi32, #tpu.memory_space<vmem>>) semaphore(%arg11 : memref<!tpu.dma_semaphore, #tpu.memory_space<semaphore_mem>>)
      %dma_start3A_31 = arith.constant 0 : i32
      %dma_start3A_32 = tpu.memref_slice %arg8[%add3A_25, %dma_start3A_31] : memref<40x128xi32, #tpu.memory_space<vmem>> -> memref<1x128xi32, #tpu.memory_space<vmem>>
      %dma_start3A_33 = tpu.memref_squeeze %dma_start3A_32 : memref<1x128xi32, #tpu.memory_space<vmem>> -> memref<128xi32, #tpu.memory_space<vmem>>
      %dma_start3A_34 = arith.constant 0 : i32
      %dma_start3A_35 = arith.constant 0 : i32
      %dma_start3A_36 = tpu.memref_slice %arg2[%dma_start3A_34, %dma_start3A_35] : memref<10000x128xf32, #tpu.memory_space<hbm>> -> memref<10000x128xf32, #tpu.memory_space<hbm>>
      tpu.enqueue_indirect_dma source(%dma_start3A_36 : memref<10000x128xf32, #tpu.memory_space<hbm>>) target(%arg10 : memref<128x128xf32, #tpu.memory_space<vmem>>) offsets(%dma_start3A_33 : memref<128xi32, #tpu.memory_space<vmem>>) semaphore(%arg12 : memref<!tpu.dma_semaphore, #tpu.memory_space<semaphore_mem>>)
      %dma_wait3A = arith.constant 0 : i32
      %dma_wait3A_37 = tpu.memref_slice %arg8[%mul3A_23, %dma_wait3A] : memref<40x128xi32, #tpu.memory_space<vmem>> -> memref<1x128xi32, #tpu.memory_space<vmem>>
      %dma_wait3A_38 = tpu.memref_squeeze %dma_wait3A_37 : memref<1x128xi32, #tpu.memory_space<vmem>> -> memref<128xi32, #tpu.memory_space<vmem>>
      %dma_wait3A_39 = arith.constant 0 : i32
      %dma_wait3A_40 = arith.constant 0 : i32
      %dma_wait3A_41 = tpu.memref_slice %arg2[%dma_wait3A_39, %dma_wait3A_40] : memref<10000x128xf32, #tpu.memory_space<hbm>> -> memref<10000x128xf32, #tpu.memory_space<hbm>>
      tpu.wait_indirect_dma semaphore(%arg11 : memref<!tpu.dma_semaphore, #tpu.memory_space<semaphore_mem>>) src(%dma_wait3A_41 : memref<10000x128xf32, #tpu.memory_space<hbm>>) dst(%arg9 : memref<128x128xf32, #tpu.memory_space<vmem>>)
      "tpu.region"() ({
        %run_scoped3A = tpu.sem_alloc : memref<!tpu.dma_semaphore, #tpu.memory_space<semaphore_mem>>
        %dma_start3A_48 = arith.constant 0 : i32
        %dma_start3A_49 = tpu.memref_slice %arg7[%mul3A_23, %dma_start3A_48] : memref<40x128xi32, #tpu.memory_space<vmem>> -> memref<1x128xi32, #tpu.memory_space<vmem>>
        %dma_start3A_50 = tpu.memref_squeeze %dma_start3A_49 : memref<1x128xi32, #tpu.memory_space<vmem>> -> memref<128xi32, #tpu.memory_space<vmem>>
        %dma_start3A_51 = arith.constant 0 : i32
        %dma_start3A_52 = arith.constant 0 : i32
        %dma_start3A_53 = tpu.memref_slice %arg13[%dma_start3A_51, %dma_start3A_52] : memref<10112x128xf32, #tpu.memory_space<vmem_shared>> -> memref<10112x128xf32, #tpu.memory_space<vmem_shared>>
        tpu.enqueue_indirect_dma source(%arg9 : memref<128x128xf32, #tpu.memory_space<vmem>>) target(%dma_start3A_53 : memref<10112x128xf32, #tpu.memory_space<vmem_shared>>) offsets(%dma_start3A_50 : memref<128xi32, #tpu.memory_space<vmem>>) semaphore(%run_scoped3A : memref<!tpu.dma_semaphore, #tpu.memory_space<semaphore_mem>>) {add = true}
        %dma_wait3A_54 = arith.constant 0 : i32
        %dma_wait3A_55 = tpu.memref_slice %arg7[%mul3A_23, %dma_wait3A_54] : memref<40x128xi32, #tpu.memory_space<vmem>> -> memref<1x128xi32, #tpu.memory_space<vmem>>
        %dma_wait3A_56 = tpu.memref_squeeze %dma_wait3A_55 : memref<1x128xi32, #tpu.memory_space<vmem>> -> memref<128xi32, #tpu.memory_space<vmem>>
        %dma_wait3A_57 = arith.constant 0 : i32
        %dma_wait3A_58 = arith.constant 0 : i32
        %dma_wait3A_59 = tpu.memref_slice %arg13[%dma_wait3A_57, %dma_wait3A_58] : memref<10112x128xf32, #tpu.memory_space<vmem_shared>> -> memref<10112x128xf32, #tpu.memory_space<vmem_shared>>
        tpu.wait_indirect_dma semaphore(%run_scoped3A : memref<!tpu.dma_semaphore, #tpu.memory_space<semaphore_mem>>) src(%arg9 : memref<128x128xf32, #tpu.memory_space<vmem>>) dst(%dma_wait3A_59 : memref<10112x128xf32, #tpu.memory_space<vmem_shared>>)
        tpu.yield
      }) : () -> ()
      %dma_wait3A_42 = arith.constant 0 : i32
      %dma_wait3A_43 = tpu.memref_slice %arg8[%add3A_25, %dma_wait3A_42] : memref<40x128xi32, #tpu.memory_space<vmem>> -> memref<1x128xi32, #tpu.memory_space<vmem>>
      %dma_wait3A_44 = tpu.memref_squeeze %dma_wait3A_43 : memref<1x128xi32, #tpu.memory_space<vmem>> -> memref<128xi32, #tpu.memory_space<vmem>>
      %dma_wait3A_45 = arith.constant 0 : i32
      %dma_wait3A_46 = arith.constant 0 : i32
      %dma_wait3A_47 = tpu.memref_slice %arg2[%dma_wait3A_45, %dma_wait3A_46] : memref<10000x128xf32, #tpu.memory_space<hbm>> -> memref<10000x128xf32, #tpu.memory_space<hbm>>
      tpu.wait_indirect_dma semaphore(%arg12 : memref<!tpu.dma_semaphore, #tpu.memory_space<semaphore_mem>>) src(%dma_wait3A_47 : memref<10000x128xf32, #tpu.memory_space<hbm>>) dst(%arg10 : memref<128x128xf32, #tpu.memory_space<vmem>>)
      "tpu.region"() ({
        %run_scoped3A = tpu.sem_alloc : memref<!tpu.dma_semaphore, #tpu.memory_space<semaphore_mem>>
        %dma_start3A_48 = arith.constant 0 : i32
        %dma_start3A_49 = tpu.memref_slice %arg7[%add3A_25, %dma_start3A_48] : memref<40x128xi32, #tpu.memory_space<vmem>> -> memref<1x128xi32, #tpu.memory_space<vmem>>
        %dma_start3A_50 = tpu.memref_squeeze %dma_start3A_49 : memref<1x128xi32, #tpu.memory_space<vmem>> -> memref<128xi32, #tpu.memory_space<vmem>>
        %dma_start3A_51 = arith.constant 0 : i32
        %dma_start3A_52 = arith.constant 0 : i32
        %dma_start3A_53 = tpu.memref_slice %arg13[%dma_start3A_51, %dma_start3A_52] : memref<10112x128xf32, #tpu.memory_space<vmem_shared>> -> memref<10112x128xf32, #tpu.memory_space<vmem_shared>>
        tpu.enqueue_indirect_dma source(%arg10 : memref<128x128xf32, #tpu.memory_space<vmem>>) target(%dma_start3A_53 : memref<10112x128xf32, #tpu.memory_space<vmem_shared>>) offsets(%dma_start3A_50 : memref<128xi32, #tpu.memory_space<vmem>>) semaphore(%run_scoped3A : memref<!tpu.dma_semaphore, #tpu.memory_space<semaphore_mem>>) {add = true}
        %dma_wait3A_54 = arith.constant 0 : i32
        %dma_wait3A_55 = tpu.memref_slice %arg7[%add3A_25, %dma_wait3A_54] : memref<40x128xi32, #tpu.memory_space<vmem>> -> memref<1x128xi32, #tpu.memory_space<vmem>>
        %dma_wait3A_56 = tpu.memref_squeeze %dma_wait3A_55 : memref<1x128xi32, #tpu.memory_space<vmem>> -> memref<128xi32, #tpu.memory_space<vmem>>
        %dma_wait3A_57 = arith.constant 0 : i32
        %dma_wait3A_58 = arith.constant 0 : i32
        %dma_wait3A_59 = tpu.memref_slice %arg13[%dma_wait3A_57, %dma_wait3A_58] : memref<10112x128xf32, #tpu.memory_space<vmem_shared>> -> memref<10112x128xf32, #tpu.memory_space<vmem_shared>>
        tpu.wait_indirect_dma semaphore(%run_scoped3A : memref<!tpu.dma_semaphore, #tpu.memory_space<semaphore_mem>>) src(%arg10 : memref<128x128xf32, #tpu.memory_space<vmem>>) dst(%dma_wait3A_59 : memref<10112x128xf32, #tpu.memory_space<vmem_shared>>)
        tpu.yield
      }) : () -> ()
    }
    %scan3A_9 = arith.constant 20 : i32
    "tpu.region"() ({
      %run_scoped3A = tpu.sem_alloc : memref<!tpu.dma_semaphore, #tpu.memory_space<semaphore_mem>>
      %dma_start3A = arith.constant 0 : i32
      %dma_start3A_21 = arith.constant 0 : i32
      %dma_start3A_22 = tpu.memref_slice %arg4[%add3A, %dma_start3A, %dma_start3A_21] : memref<32x80x128xi32, #tpu.memory_space<hbm>> -> memref<1x80x128xi32, #tpu.memory_space<hbm>>
      %dma_start3A_23 = tpu.memref_squeeze %dma_start3A_22 : memref<1x80x128xi32, #tpu.memory_space<hbm>> -> memref<80x128xi32, #tpu.memory_space<hbm>>
      %dma_start3A_24 = arith.constant 40 : i32
      %dma_start3A_25 = arith.constant 0 : i32
      %dma_start3A_26 = tpu.memref_slice %dma_start3A_23[%dma_start3A_24, %dma_start3A_25] : memref<80x128xi32, #tpu.memory_space<hbm>> -> memref<40x128xi32, #tpu.memory_space<hbm>>
      %dma_start3A_27 = arith.constant 0 : i32
      %dma_start3A_28 = arith.constant 0 : i32
      %dma_start3A_29 = tpu.memref_slice %arg4[%add3A, %dma_start3A_27, %dma_start3A_28] : memref<32x80x128xi32, #tpu.memory_space<hbm>> -> memref<1x80x128xi32, #tpu.memory_space<hbm>>
      %dma_start3A_30 = tpu.memref_squeeze %dma_start3A_29 : memref<1x80x128xi32, #tpu.memory_space<hbm>> -> memref<80x128xi32, #tpu.memory_space<hbm>>
      %dma_start3A_31 = arith.constant 40 : i32
      %dma_start3A_32 = arith.constant 0 : i32
      %dma_start3A_33 = tpu.memref_slice %dma_start3A_30[%dma_start3A_31, %dma_start3A_32] : memref<80x128xi32, #tpu.memory_space<hbm>> -> memref<40x128xi32, #tpu.memory_space<hbm>>
      tpu.enqueue_dma source(%dma_start3A_33 : memref<40x128xi32, #tpu.memory_space<hbm>>) target(%arg7 : memref<40x128xi32, #tpu.memory_space<vmem>>) target_semaphore(%run_scoped3A : memref<!tpu.dma_semaphore, #tpu.memory_space<semaphore_mem>>)
      %dma_wait3A = arith.constant 0 : i32
      %dma_wait3A_34 = arith.constant 0 : i32
      %dma_wait3A_35 = tpu.memref_slice %arg4[%add3A, %dma_wait3A, %dma_wait3A_34] : memref<32x80x128xi32, #tpu.memory_space<hbm>> -> memref<1x80x128xi32, #tpu.memory_space<hbm>>
      %dma_wait3A_36 = tpu.memref_squeeze %dma_wait3A_35 : memref<1x80x128xi32, #tpu.memory_space<hbm>> -> memref<80x128xi32, #tpu.memory_space<hbm>>
      %dma_wait3A_37 = arith.constant 40 : i32
      %dma_wait3A_38 = arith.constant 0 : i32
      %dma_wait3A_39 = tpu.memref_slice %dma_wait3A_36[%dma_wait3A_37, %dma_wait3A_38] : memref<80x128xi32, #tpu.memory_space<hbm>> -> memref<40x128xi32, #tpu.memory_space<hbm>>
      %dma_wait3A_40 = arith.constant 0 : i32
      %dma_wait3A_41 = arith.constant 0 : i32
      %dma_wait3A_42 = tpu.memref_slice %arg4[%add3A, %dma_wait3A_40, %dma_wait3A_41] : memref<32x80x128xi32, #tpu.memory_space<hbm>> -> memref<1x80x128xi32, #tpu.memory_space<hbm>>
      %dma_wait3A_43 = tpu.memref_squeeze %dma_wait3A_42 : memref<1x80x128xi32, #tpu.memory_space<hbm>> -> memref<80x128xi32, #tpu.memory_space<hbm>>
      %dma_wait3A_44 = arith.constant 40 : i32
      %dma_wait3A_45 = arith.constant 0 : i32
      %dma_wait3A_46 = tpu.memref_slice %dma_wait3A_43[%dma_wait3A_44, %dma_wait3A_45] : memref<80x128xi32, #tpu.memory_space<hbm>> -> memref<40x128xi32, #tpu.memory_space<hbm>>
      tpu.wait_dma2 semaphore(%run_scoped3A : memref<!tpu.dma_semaphore, #tpu.memory_space<semaphore_mem>>) src(%dma_wait3A_46 : memref<40x128xi32, #tpu.memory_space<hbm>>) dst(%arg7 : memref<40x128xi32, #tpu.memory_space<vmem>>)
      tpu.yield
    }) : () -> ()
    "tpu.region"() ({
      %run_scoped3A = tpu.sem_alloc : memref<!tpu.dma_semaphore, #tpu.memory_space<semaphore_mem>>
      %dma_start3A = arith.constant 0 : i32
      %dma_start3A_21 = arith.constant 0 : i32
      %dma_start3A_22 = tpu.memref_slice %arg3[%add3A, %dma_start3A, %dma_start3A_21] : memref<32x80x128xi32, #tpu.memory_space<hbm>> -> memref<1x80x128xi32, #tpu.memory_space<hbm>>
      %dma_start3A_23 = tpu.memref_squeeze %dma_start3A_22 : memref<1x80x128xi32, #tpu.memory_space<hbm>> -> memref<80x128xi32, #tpu.memory_space<hbm>>
      %dma_start3A_24 = arith.constant 40 : i32
      %dma_start3A_25 = arith.constant 0 : i32
      %dma_start3A_26 = tpu.memref_slice %dma_start3A_23[%dma_start3A_24, %dma_start3A_25] : memref<80x128xi32, #tpu.memory_space<hbm>> -> memref<40x128xi32, #tpu.memory_space<hbm>>
      %dma_start3A_27 = arith.constant 0 : i32
      %dma_start3A_28 = arith.constant 0 : i32
      %dma_start3A_29 = tpu.memref_slice %arg3[%add3A, %dma_start3A_27, %dma_start3A_28] : memref<32x80x128xi32, #tpu.memory_space<hbm>> -> memref<1x80x128xi32, #tpu.memory_space<hbm>>
      %dma_start3A_30 = tpu.memref_squeeze %dma_start3A_29 : memref<1x80x128xi32, #tpu.memory_space<hbm>> -> memref<80x128xi32, #tpu.memory_space<hbm>>
      %dma_start3A_31 = arith.constant 40 : i32
      %dma_start3A_32 = arith.constant 0 : i32
      %dma_start3A_33 = tpu.memref_slice %dma_start3A_30[%dma_start3A_31, %dma_start3A_32] : memref<80x128xi32, #tpu.memory_space<hbm>> -> memref<40x128xi32, #tpu.memory_space<hbm>>
      tpu.enqueue_dma source(%dma_start3A_33 : memref<40x128xi32, #tpu.memory_space<hbm>>) target(%arg8 : memref<40x128xi32, #tpu.memory_space<vmem>>) target_semaphore(%run_scoped3A : memref<!tpu.dma_semaphore, #tpu.memory_space<semaphore_mem>>)
      %dma_wait3A = arith.constant 0 : i32
      %dma_wait3A_34 = arith.constant 0 : i32
      %dma_wait3A_35 = tpu.memref_slice %arg3[%add3A, %dma_wait3A, %dma_wait3A_34] : memref<32x80x128xi32, #tpu.memory_space<hbm>> -> memref<1x80x128xi32, #tpu.memory_space<hbm>>
      %dma_wait3A_36 = tpu.memref_squeeze %dma_wait3A_35 : memref<1x80x128xi32, #tpu.memory_space<hbm>> -> memref<80x128xi32, #tpu.memory_space<hbm>>
      %dma_wait3A_37 = arith.constant 40 : i32
      %dma_wait3A_38 = arith.constant 0 : i32
      %dma_wait3A_39 = tpu.memref_slice %dma_wait3A_36[%dma_wait3A_37, %dma_wait3A_38] : memref<80x128xi32, #tpu.memory_space<hbm>> -> memref<40x128xi32, #tpu.memory_space<hbm>>
      %dma_wait3A_40 = arith.constant 0 : i32
      %dma_wait3A_41 = arith.constant 0 : i32
      %dma_wait3A_42 = tpu.memref_slice %arg3[%add3A, %dma_wait3A_40, %dma_wait3A_41] : memref<32x80x128xi32, #tpu.memory_space<hbm>> -> memref<1x80x128xi32, #tpu.memory_space<hbm>>
      %dma_wait3A_43 = tpu.memref_squeeze %dma_wait3A_42 : memref<1x80x128xi32, #tpu.memory_space<hbm>> -> memref<80x128xi32, #tpu.memory_space<hbm>>
      %dma_wait3A_44 = arith.constant 40 : i32
      %dma_wait3A_45 = arith.constant 0 : i32
      %dma_wait3A_46 = tpu.memref_slice %dma_wait3A_43[%dma_wait3A_44, %dma_wait3A_45] : memref<80x128xi32, #tpu.memory_space<hbm>> -> memref<40x128xi32, #tpu.memory_space<hbm>>
      tpu.wait_dma2 semaphore(%run_scoped3A : memref<!tpu.dma_semaphore, #tpu.memory_space<semaphore_mem>>) src(%dma_wait3A_46 : memref<40x128xi32, #tpu.memory_space<hbm>>) dst(%arg8 : memref<40x128xi32, #tpu.memory_space<vmem>>)
      tpu.yield
    }) : () -> ()
    %scan3A_10 = arith.constant 0 : i32
    %scan3A_11 = arith.constant 0 : i32
    %scan3A_12 = arith.constant 20 : i32
    %scan3A_13 = arith.addi %scan3A_11, %scan3A_12 : i32
    %scan3A_14 = arith.constant 1 : i32
    scf.for %scan3A_21 = %scan3A_11 to %scan3A_13 step %scan3A_14  : i32 {
      %mul3A_22 = arith.constant 2 : i32
      %mul3A_23 = arith.muli %scan3A_21, %mul3A_22 : i32
      %add3A_24 = arith.constant 1 : i32
      %add3A_25 = arith.addi %mul3A_23, %add3A_24 : i32
      %dma_start3A = arith.constant 0 : i32
      %dma_start3A_26 = tpu.memref_slice %arg8[%mul3A_23, %dma_start3A] : memref<40x128xi32, #tpu.memory_space<vmem>> -> memref<1x128xi32, #tpu.memory_space<vmem>>
      %dma_start3A_27 = tpu.memref_squeeze %dma_start3A_26 : memref<1x128xi32, #tpu.memory_space<vmem>> -> memref<128xi32, #tpu.memory_space<vmem>>
      %dma_start3A_28 = arith.constant 0 : i32
      %dma_start3A_29 = arith.constant 0 : i32
      %dma_start3A_30 = tpu.memref_slice %arg2[%dma_start3A_28, %dma_start3A_29] : memref<10000x128xf32, #tpu.memory_space<hbm>> -> memref<10000x128xf32, #tpu.memory_space<hbm>>
      tpu.enqueue_indirect_dma source(%dma_start3A_30 : memref<10000x128xf32, #tpu.memory_space<hbm>>) target(%arg9 : memref<128x128xf32, #tpu.memory_space<vmem>>) offsets(%dma_start3A_27 : memref<128xi32, #tpu.memory_space<vmem>>) semaphore(%arg11 : memref<!tpu.dma_semaphore, #tpu.memory_space<semaphore_mem>>)
      %dma_start3A_31 = arith.constant 0 : i32
      %dma_start3A_32 = tpu.memref_slice %arg8[%add3A_25, %dma_start3A_31] : memref<40x128xi32, #tpu.memory_space<vmem>> -> memref<1x128xi32, #tpu.memory_space<vmem>>
      %dma_start3A_33 = tpu.memref_squeeze %dma_start3A_32 : memref<1x128xi32, #tpu.memory_space<vmem>> -> memref<128xi32, #tpu.memory_space<vmem>>
      %dma_start3A_34 = arith.constant 0 : i32
      %dma_start3A_35 = arith.constant 0 : i32
      %dma_start3A_36 = tpu.memref_slice %arg2[%dma_start3A_34, %dma_start3A_35] : memref<10000x128xf32, #tpu.memory_space<hbm>> -> memref<10000x128xf32, #tpu.memory_space<hbm>>
      tpu.enqueue_indirect_dma source(%dma_start3A_36 : memref<10000x128xf32, #tpu.memory_space<hbm>>) target(%arg10 : memref<128x128xf32, #tpu.memory_space<vmem>>) offsets(%dma_start3A_33 : memref<128xi32, #tpu.memory_space<vmem>>) semaphore(%arg12 : memref<!tpu.dma_semaphore, #tpu.memory_space<semaphore_mem>>)
      %dma_wait3A = arith.constant 0 : i32
      %dma_wait3A_37 = tpu.memref_slice %arg8[%mul3A_23, %dma_wait3A] : memref<40x128xi32, #tpu.memory_space<vmem>> -> memref<1x128xi32, #tpu.memory_space<vmem>>
      %dma_wait3A_38 = tpu.memref_squeeze %dma_wait3A_37 : memref<1x128xi32, #tpu.memory_space<vmem>> -> memref<128xi32, #tpu.memory_space<vmem>>
      %dma_wait3A_39 = arith.constant 0 : i32
      %dma_wait3A_40 = arith.constant 0 : i32
      %dma_wait3A_41 = tpu.memref_slice %arg2[%dma_wait3A_39, %dma_wait3A_40] : memref<10000x128xf32, #tpu.memory_space<hbm>> -> memref<10000x128xf32, #tpu.memory_space<hbm>>
      tpu.wait_indirect_dma semaphore(%arg11 : memref<!tpu.dma_semaphore, #tpu.memory_space<semaphore_mem>>) src(%dma_wait3A_41 : memref<10000x128xf32, #tpu.memory_space<hbm>>) dst(%arg9 : memref<128x128xf32, #tpu.memory_space<vmem>>)
      "tpu.region"() ({
        %run_scoped3A = tpu.sem_alloc : memref<!tpu.dma_semaphore, #tpu.memory_space<semaphore_mem>>
        %dma_start3A_48 = arith.constant 0 : i32
        %dma_start3A_49 = tpu.memref_slice %arg7[%mul3A_23, %dma_start3A_48] : memref<40x128xi32, #tpu.memory_space<vmem>> -> memref<1x128xi32, #tpu.memory_space<vmem>>
        %dma_start3A_50 = tpu.memref_squeeze %dma_start3A_49 : memref<1x128xi32, #tpu.memory_space<vmem>> -> memref<128xi32, #tpu.memory_space<vmem>>
        %dma_start3A_51 = arith.constant 0 : i32
        %dma_start3A_52 = arith.constant 0 : i32
        %dma_start3A_53 = tpu.memref_slice %arg13[%dma_start3A_51, %dma_start3A_52] : memref<10112x128xf32, #tpu.memory_space<vmem_shared>> -> memref<10112x128xf32, #tpu.memory_space<vmem_shared>>
        tpu.enqueue_indirect_dma source(%arg9 : memref<128x128xf32, #tpu.memory_space<vmem>>) target(%dma_start3A_53 : memref<10112x128xf32, #tpu.memory_space<vmem_shared>>) offsets(%dma_start3A_50 : memref<128xi32, #tpu.memory_space<vmem>>) semaphore(%run_scoped3A : memref<!tpu.dma_semaphore, #tpu.memory_space<semaphore_mem>>) {add = true}
        %dma_wait3A_54 = arith.constant 0 : i32
        %dma_wait3A_55 = tpu.memref_slice %arg7[%mul3A_23, %dma_wait3A_54] : memref<40x128xi32, #tpu.memory_space<vmem>> -> memref<1x128xi32, #tpu.memory_space<vmem>>
        %dma_wait3A_56 = tpu.memref_squeeze %dma_wait3A_55 : memref<1x128xi32, #tpu.memory_space<vmem>> -> memref<128xi32, #tpu.memory_space<vmem>>
        %dma_wait3A_57 = arith.constant 0 : i32
        %dma_wait3A_58 = arith.constant 0 : i32
        %dma_wait3A_59 = tpu.memref_slice %arg13[%dma_wait3A_57, %dma_wait3A_58] : memref<10112x128xf32, #tpu.memory_space<vmem_shared>> -> memref<10112x128xf32, #tpu.memory_space<vmem_shared>>
        tpu.wait_indirect_dma semaphore(%run_scoped3A : memref<!tpu.dma_semaphore, #tpu.memory_space<semaphore_mem>>) src(%arg9 : memref<128x128xf32, #tpu.memory_space<vmem>>) dst(%dma_wait3A_59 : memref<10112x128xf32, #tpu.memory_space<vmem_shared>>)
        tpu.yield
      }) : () -> ()
      %dma_wait3A_42 = arith.constant 0 : i32
      %dma_wait3A_43 = tpu.memref_slice %arg8[%add3A_25, %dma_wait3A_42] : memref<40x128xi32, #tpu.memory_space<vmem>> -> memref<1x128xi32, #tpu.memory_space<vmem>>
      %dma_wait3A_44 = tpu.memref_squeeze %dma_wait3A_43 : memref<1x128xi32, #tpu.memory_space<vmem>> -> memref<128xi32, #tpu.memory_space<vmem>>
      %dma_wait3A_45 = arith.constant 0 : i32
      %dma_wait3A_46 = arith.constant 0 : i32
      %dma_wait3A_47 = tpu.memref_slice %arg2[%dma_wait3A_45, %dma_wait3A_46] : memref<10000x128xf32, #tpu.memory_space<hbm>> -> memref<10000x128xf32, #tpu.memory_space<hbm>>
      tpu.wait_indirect_dma semaphore(%arg12 : memref<!tpu.dma_semaphore, #tpu.memory_space<semaphore_mem>>) src(%dma_wait3A_47 : memref<10000x128xf32, #tpu.memory_space<hbm>>) dst(%arg10 : memref<128x128xf32, #tpu.memory_space<vmem>>)
      "tpu.region"() ({
        %run_scoped3A = tpu.sem_alloc : memref<!tpu.dma_semaphore, #tpu.memory_space<semaphore_mem>>
        %dma_start3A_48 = arith.constant 0 : i32
        %dma_start3A_49 = tpu.memref_slice %arg7[%add3A_25, %dma_start3A_48] : memref<40x128xi32, #tpu.memory_space<vmem>> -> memref<1x128xi32, #tpu.memory_space<vmem>>
        %dma_start3A_50 = tpu.memref_squeeze %dma_start3A_49 : memref<1x128xi32, #tpu.memory_space<vmem>> -> memref<128xi32, #tpu.memory_space<vmem>>
        %dma_start3A_51 = arith.constant 0 : i32
        %dma_start3A_52 = arith.constant 0 : i32
        %dma_start3A_53 = tpu.memref_slice %arg13[%dma_start3A_51, %dma_start3A_52] : memref<10112x128xf32, #tpu.memory_space<vmem_shared>> -> memref<10112x128xf32, #tpu.memory_space<vmem_shared>>
        tpu.enqueue_indirect_dma source(%arg10 : memref<128x128xf32, #tpu.memory_space<vmem>>) target(%dma_start3A_53 : memref<10112x128xf32, #tpu.memory_space<vmem_shared>>) offsets(%dma_start3A_50 : memref<128xi32, #tpu.memory_space<vmem>>) semaphore(%run_scoped3A : memref<!tpu.dma_semaphore, #tpu.memory_space<semaphore_mem>>) {add = true}
        %dma_wait3A_54 = arith.constant 0 : i32
        %dma_wait3A_55 = tpu.memref_slice %arg7[%add3A_25, %dma_wait3A_54] : memref<40x128xi32, #tpu.memory_space<vmem>> -> memref<1x128xi32, #tpu.memory_space<vmem>>
        %dma_wait3A_56 = tpu.memref_squeeze %dma_wait3A_55 : memref<1x128xi32, #tpu.memory_space<vmem>> -> memref<128xi32, #tpu.memory_space<vmem>>
        %dma_wait3A_57 = arith.constant 0 : i32
        %dma_wait3A_58 = arith.constant 0 : i32
        %dma_wait3A_59 = tpu.memref_slice %arg13[%dma_wait3A_57, %dma_wait3A_58] : memref<10112x128xf32, #tpu.memory_space<vmem_shared>> -> memref<10112x128xf32, #tpu.memory_space<vmem_shared>>
        tpu.wait_indirect_dma semaphore(%run_scoped3A : memref<!tpu.dma_semaphore, #tpu.memory_space<semaphore_mem>>) src(%arg10 : memref<128x128xf32, #tpu.memory_space<vmem>>) dst(%dma_wait3A_59 : memref<10112x128xf32, #tpu.memory_space<vmem_shared>>)
        tpu.yield
      }) : () -> ()
    }
    %scan3A_15 = arith.constant 20 : i32
    %barrier3A_16 = arith.constant 0 : index
    tpu.barrier barrier_id(%barrier3A_16)
    %mul3A_17 = arith.constant 632 : i32
    %mul3A_18 = arith.muli %arg1, %mul3A_17 : i32
    %mul3A_19 = arith.constant 632 : i32
    %mul3A_20 = arith.muli %arg1, %mul3A_19 : i32
    "tpu.region"() ({
      %run_scoped3A = tpu.sem_alloc : memref<!tpu.dma_semaphore, #tpu.memory_space<semaphore_mem>>
      %dma_start3A = arith.constant 0 : i32
      %dma_start3A_21 = arith.constant 0 : i32
      %dma_start3A_22 = tpu.memref_slice %arg6[%arg0, %dma_start3A, %dma_start3A_21] : memref<2x10112x128xf32, #tpu.memory_space<hbm>> -> memref<1x10112x128xf32, #tpu.memory_space<hbm>>
      %dma_start3A_23 = tpu.memref_squeeze %dma_start3A_22 : memref<1x10112x128xf32, #tpu.memory_space<hbm>> -> memref<10112x128xf32, #tpu.memory_space<hbm>>
      %dma_start3A_24 = arith.constant 0 : i32
      %dma_start3A_25 = tpu.memref_slice %dma_start3A_23[%mul3A_20, %dma_start3A_24] : memref<10112x128xf32, #tpu.memory_space<hbm>> -> memref<632x128xf32, #tpu.memory_space<hbm>>
      %dma_start3A_26 = arith.constant 0 : i32
      %dma_start3A_27 = tpu.memref_slice %arg13[%mul3A_18, %dma_start3A_26] : memref<10112x128xf32, #tpu.memory_space<vmem_shared>> -> memref<632x128xf32, #tpu.memory_space<vmem_shared>>
      tpu.enqueue_dma source(%dma_start3A_27 : memref<632x128xf32, #tpu.memory_space<vmem_shared>>) target(%dma_start3A_25 : memref<632x128xf32, #tpu.memory_space<hbm>>) target_semaphore(%run_scoped3A : memref<!tpu.dma_semaphore, #tpu.memory_space<semaphore_mem>>)
      %dma_wait3A = arith.constant 0 : i32
      %dma_wait3A_28 = arith.constant 0 : i32
      %dma_wait3A_29 = tpu.memref_slice %arg6[%arg0, %dma_wait3A, %dma_wait3A_28] : memref<2x10112x128xf32, #tpu.memory_space<hbm>> -> memref<1x10112x128xf32, #tpu.memory_space<hbm>>
      %dma_wait3A_30 = tpu.memref_squeeze %dma_wait3A_29 : memref<1x10112x128xf32, #tpu.memory_space<hbm>> -> memref<10112x128xf32, #tpu.memory_space<hbm>>
      %dma_wait3A_31 = arith.constant 0 : i32
      %dma_wait3A_32 = tpu.memref_slice %dma_wait3A_30[%mul3A_20, %dma_wait3A_31] : memref<10112x128xf32, #tpu.memory_space<hbm>> -> memref<632x128xf32, #tpu.memory_space<hbm>>
      %dma_wait3A_33 = arith.constant 0 : i32
      %dma_wait3A_34 = tpu.memref_slice %arg13[%mul3A_18, %dma_wait3A_33] : memref<10112x128xf32, #tpu.memory_space<vmem_shared>> -> memref<632x128xf32, #tpu.memory_space<vmem_shared>>
      tpu.wait_dma2 semaphore(%run_scoped3A : memref<!tpu.dma_semaphore, #tpu.memory_space<semaphore_mem>>) src(%dma_wait3A_34 : memref<632x128xf32, #tpu.memory_space<vmem_shared>>) dst(%dma_wait3A_32 : memref<632x128xf32, #tpu.memory_space<hbm>>)
      tpu.yield
    }) : () -> ()
    return
  }
}

#map = affine_map<(d0, d1) -> (0, 0)>
#map1 = affine_map<(d0, d1) -> (0, 0, 0)>
module attributes {stable_mosaic.version = 14 : i64} {
  func.func @_body(%arg0: i32, %arg1: i32, %arg2: memref<10000x128xf32, #tpu.memory_space<hbm>>, %arg3: memref<32x80x128xi32, #tpu.memory_space<hbm>>, %arg4: memref<32x80x128xi32, #tpu.memory_space<hbm>>, %arg5: memref<10112x128xf32, #tpu.memory_space<hbm>>, %arg6: memref<2x10112x128xf32, #tpu.memory_space<hbm>>, %arg7: memref<40x128xi32, #tpu.memory_space<vmem>>, %arg8: memref<40x128xi32, #tpu.memory_space<vmem>>, %arg9: memref<128x128xf32, #tpu.memory_space<vmem>>, %arg10: memref<128x128xf32, #tpu.memory_space<vmem>>, %arg11: memref<!tpu.dma_semaphore, #tpu.memory_space<semaphore_mem>>, %arg12: memref<!tpu.dma_semaphore, #tpu.memory_space<semaphore_mem>>, %arg13: memref<10112x128xf32, #tpu.memory_space<vmem_shared>>) attributes {dimension_semantics = [#tpu.dimension_semantics<core_parallel>, #tpu.dimension_semantics<subcore_parallel>], iteration_bounds = array<i64: 2, 16>, scalar_prefetch = 0 : i64, scratch_operands = 7 : i64, tpu.core_type = #tpu.core_type<sc_vector_subcore>, window_params = [{transform_indices = #map}, {transform_indices = #map1}, {transform_indices = #map1}, {transform_indices = #map}, {transform_indices = #map1}]} {
    %mul3A = arith.constant 16 : i32
    %mul3A_0 = arith.muli %arg0, %mul3A : i32
    %add3A = arith.addi %mul3A_0, %arg1 : i32
    %mul3A_1 = arith.constant 632 : i32
    %mul3A_2 = arith.muli %arg1, %mul3A_1 : i32
    %mul3A_3 = arith.constant 632 : i32
    %mul3A_4 = arith.muli %arg1, %mul3A_3 : i32
    "tpu.region"() ({
      %run_scoped3A = tpu.sem_alloc : memref<!tpu.dma_semaphore, #tpu.memory_space<semaphore_mem>>
      %dma_start3A = arith.constant 0 : i32
      %dma_start3A_21 = tpu.memref_slice %arg13[%mul3A_4, %dma_start3A] : memref<10112x128xf32, #tpu.memory_space<vmem_shared>> -> memref<632x128xf32, #tpu.memory_space<vmem_shared>>
      %dma_start3A_22 = arith.constant 0 : i32
      %dma_start3A_23 = tpu.memref_slice %arg5[%mul3A_2, %dma_start3A_22] : memref<10112x128xf32, #tpu.memory_space<hbm>> -> memref<632x128xf32, #tpu.memory_space<hbm>>
      tpu.enqueue_dma source(%dma_start3A_23 : memref<632x128xf32, #tpu.memory_space<hbm>>) target(%dma_start3A_21 : memref<632x128xf32, #tpu.memory_space<vmem_shared>>) target_semaphore(%run_scoped3A : memref<!tpu.dma_semaphore, #tpu.memory_space<semaphore_mem>>)
      %dma_wait3A = arith.constant 0 : i32
      %dma_wait3A_24 = tpu.memref_slice %arg13[%mul3A_4, %dma_wait3A] : memref<10112x128xf32, #tpu.memory_space<vmem_shared>> -> memref<632x128xf32, #tpu.memory_space<vmem_shared>>
      %dma_wait3A_25 = arith.constant 0 : i32
      %dma_wait3A_26 = tpu.memref_slice %arg5[%mul3A_2, %dma_wait3A_25] : memref<10112x128xf32, #tpu.memory_space<hbm>> -> memref<632x128xf32, #tpu.memory_space<hbm>>
      tpu.wait_dma2 semaphore(%run_scoped3A : memref<!tpu.dma_semaphore, #tpu.memory_space<semaphore_mem>>) src(%dma_wait3A_26 : memref<632x128xf32, #tpu.memory_space<hbm>>) dst(%dma_wait3A_24 : memref<632x128xf32, #tpu.memory_space<vmem_shared>>)
      tpu.yield
    }) : () -> ()
    %barrier3A = arith.constant 0 : index
    tpu.barrier barrier_id(%barrier3A)
    "tpu.region"() ({
      %run_scoped3A = tpu.sem_alloc : memref<!tpu.dma_semaphore, #tpu.memory_space<semaphore_mem>>
      %dma_start3A = arith.constant 0 : i32
      %dma_start3A_21 = arith.constant 0 : i32
      %dma_start3A_22 = tpu.memref_slice %arg4[%add3A, %dma_start3A, %dma_start3A_21] : memref<32x80x128xi32, #tpu.memory_space<hbm>> -> memref<1x80x128xi32, #tpu.memory_space<hbm>>
      %dma_start3A_23 = tpu.memref_squeeze %dma_start3A_22 : memref<1x80x128xi32, #tpu.memory_space<hbm>> -> memref<80x128xi32, #tpu.memory_space<hbm>>
      %dma_start3A_24 = arith.constant 0 : i32
      %dma_start3A_25 = arith.constant 0 : i32
      %dma_start3A_26 = tpu.memref_slice %dma_start3A_23[%dma_start3A_24, %dma_start3A_25] : memref<80x128xi32, #tpu.memory_space<hbm>> -> memref<40x128xi32, #tpu.memory_space<hbm>>
      %dma_start3A_27 = arith.constant 0 : i32
      %dma_start3A_28 = arith.constant 0 : i32
      %dma_start3A_29 = tpu.memref_slice %arg4[%add3A, %dma_start3A_27, %dma_start3A_28] : memref<32x80x128xi32, #tpu.memory_space<hbm>> -> memref<1x80x128xi32, #tpu.memory_space<hbm>>
      %dma_start3A_30 = tpu.memref_squeeze %dma_start3A_29 : memref<1x80x128xi32, #tpu.memory_space<hbm>> -> memref<80x128xi32, #tpu.memory_space<hbm>>
      %dma_start3A_31 = arith.constant 0 : i32
      %dma_start3A_32 = arith.constant 0 : i32
      %dma_start3A_33 = tpu.memref_slice %dma_start3A_30[%dma_start3A_31, %dma_start3A_32] : memref<80x128xi32, #tpu.memory_space<hbm>> -> memref<40x128xi32, #tpu.memory_space<hbm>>
      tpu.enqueue_dma source(%dma_start3A_33 : memref<40x128xi32, #tpu.memory_space<hbm>>) target(%arg7 : memref<40x128xi32, #tpu.memory_space<vmem>>) target_semaphore(%run_scoped3A : memref<!tpu.dma_semaphore, #tpu.memory_space<semaphore_mem>>)
      %dma_wait3A = arith.constant 0 : i32
      %dma_wait3A_34 = arith.constant 0 : i32
      %dma_wait3A_35 = tpu.memref_slice %arg4[%add3A, %dma_wait3A, %dma_wait3A_34] : memref<32x80x128xi32, #tpu.memory_space<hbm>> -> memref<1x80x128xi32, #tpu.memory_space<hbm>>
      %dma_wait3A_36 = tpu.memref_squeeze %dma_wait3A_35 : memref<1x80x128xi32, #tpu.memory_space<hbm>> -> memref<80x128xi32, #tpu.memory_space<hbm>>
      %dma_wait3A_37 = arith.constant 0 : i32
      %dma_wait3A_38 = arith.constant 0 : i32
      %dma_wait3A_39 = tpu.memref_slice %dma_wait3A_36[%dma_wait3A_37, %dma_wait3A_38] : memref<80x128xi32, #tpu.memory_space<hbm>> -> memref<40x128xi32, #tpu.memory_space<hbm>>
      %dma_wait3A_40 = arith.constant 0 : i32
      %dma_wait3A_41 = arith.constant 0 : i32
      %dma_wait3A_42 = tpu.memref_slice %arg4[%add3A, %dma_wait3A_40, %dma_wait3A_41] : memref<32x80x128xi32, #tpu.memory_space<hbm>> -> memref<1x80x128xi32, #tpu.memory_space<hbm>>
      %dma_wait3A_43 = tpu.memref_squeeze %dma_wait3A_42 : memref<1x80x128xi32, #tpu.memory_space<hbm>> -> memref<80x128xi32, #tpu.memory_space<hbm>>
      %dma_wait3A_44 = arith.constant 0 : i32
      %dma_wait3A_45 = arith.constant 0 : i32
      %dma_wait3A_46 = tpu.memref_slice %dma_wait3A_43[%dma_wait3A_44, %dma_wait3A_45] : memref<80x128xi32, #tpu.memory_space<hbm>> -> memref<40x128xi32, #tpu.memory_space<hbm>>
      tpu.wait_dma2 semaphore(%run_scoped3A : memref<!tpu.dma_semaphore, #tpu.memory_space<semaphore_mem>>) src(%dma_wait3A_46 : memref<40x128xi32, #tpu.memory_space<hbm>>) dst(%arg7 : memref<40x128xi32, #tpu.memory_space<vmem>>)
      tpu.yield
    }) : () -> ()
    "tpu.region"() ({
      %run_scoped3A = tpu.sem_alloc : memref<!tpu.dma_semaphore, #tpu.memory_space<semaphore_mem>>
      %dma_start3A = arith.constant 0 : i32
      %dma_start3A_21 = arith.constant 0 : i32
      %dma_start3A_22 = tpu.memref_slice %arg3[%add3A, %dma_start3A, %dma_start3A_21] : memref<32x80x128xi32, #tpu.memory_space<hbm>> -> memref<1x80x128xi32, #tpu.memory_space<hbm>>
      %dma_start3A_23 = tpu.memref_squeeze %dma_start3A_22 : memref<1x80x128xi32, #tpu.memory_space<hbm>> -> memref<80x128xi32, #tpu.memory_space<hbm>>
      %dma_start3A_24 = arith.constant 0 : i32
      %dma_start3A_25 = arith.constant 0 : i32
      %dma_start3A_26 = tpu.memref_slice %dma_start3A_23[%dma_start3A_24, %dma_start3A_25] : memref<80x128xi32, #tpu.memory_space<hbm>> -> memref<40x128xi32, #tpu.memory_space<hbm>>
      %dma_start3A_27 = arith.constant 0 : i32
      %dma_start3A_28 = arith.constant 0 : i32
      %dma_start3A_29 = tpu.memref_slice %arg3[%add3A, %dma_start3A_27, %dma_start3A_28] : memref<32x80x128xi32, #tpu.memory_space<hbm>> -> memref<1x80x128xi32, #tpu.memory_space<hbm>>
      %dma_start3A_30 = tpu.memref_squeeze %dma_start3A_29 : memref<1x80x128xi32, #tpu.memory_space<hbm>> -> memref<80x128xi32, #tpu.memory_space<hbm>>
      %dma_start3A_31 = arith.constant 0 : i32
      %dma_start3A_32 = arith.constant 0 : i32
      %dma_start3A_33 = tpu.memref_slice %dma_start3A_30[%dma_start3A_31, %dma_start3A_32] : memref<80x128xi32, #tpu.memory_space<hbm>> -> memref<40x128xi32, #tpu.memory_space<hbm>>
      tpu.enqueue_dma source(%dma_start3A_33 : memref<40x128xi32, #tpu.memory_space<hbm>>) target(%arg8 : memref<40x128xi32, #tpu.memory_space<vmem>>) target_semaphore(%run_scoped3A : memref<!tpu.dma_semaphore, #tpu.memory_space<semaphore_mem>>)
      %dma_wait3A = arith.constant 0 : i32
      %dma_wait3A_34 = arith.constant 0 : i32
      %dma_wait3A_35 = tpu.memref_slice %arg3[%add3A, %dma_wait3A, %dma_wait3A_34] : memref<32x80x128xi32, #tpu.memory_space<hbm>> -> memref<1x80x128xi32, #tpu.memory_space<hbm>>
      %dma_wait3A_36 = tpu.memref_squeeze %dma_wait3A_35 : memref<1x80x128xi32, #tpu.memory_space<hbm>> -> memref<80x128xi32, #tpu.memory_space<hbm>>
      %dma_wait3A_37 = arith.constant 0 : i32
      %dma_wait3A_38 = arith.constant 0 : i32
      %dma_wait3A_39 = tpu.memref_slice %dma_wait3A_36[%dma_wait3A_37, %dma_wait3A_38] : memref<80x128xi32, #tpu.memory_space<hbm>> -> memref<40x128xi32, #tpu.memory_space<hbm>>
      %dma_wait3A_40 = arith.constant 0 : i32
      %dma_wait3A_41 = arith.constant 0 : i32
      %dma_wait3A_42 = tpu.memref_slice %arg3[%add3A, %dma_wait3A_40, %dma_wait3A_41] : memref<32x80x128xi32, #tpu.memory_space<hbm>> -> memref<1x80x128xi32, #tpu.memory_space<hbm>>
      %dma_wait3A_43 = tpu.memref_squeeze %dma_wait3A_42 : memref<1x80x128xi32, #tpu.memory_space<hbm>> -> memref<80x128xi32, #tpu.memory_space<hbm>>
      %dma_wait3A_44 = arith.constant 0 : i32
      %dma_wait3A_45 = arith.constant 0 : i32
      %dma_wait3A_46 = tpu.memref_slice %dma_wait3A_43[%dma_wait3A_44, %dma_wait3A_45] : memref<80x128xi32, #tpu.memory_space<hbm>> -> memref<40x128xi32, #tpu.memory_space<hbm>>
      tpu.wait_dma2 semaphore(%run_scoped3A : memref<!tpu.dma_semaphore, #tpu.memory_space<semaphore_mem>>) src(%dma_wait3A_46 : memref<40x128xi32, #tpu.memory_space<hbm>>) dst(%arg8 : memref<40x128xi32, #tpu.memory_space<vmem>>)
      tpu.yield
    }) : () -> ()
    %scan3A = arith.constant 0 : i32
    %scan3A_5 = arith.constant 0 : i32
    %scan3A_6 = arith.constant 20 : i32
    %scan3A_7 = arith.addi %scan3A_5, %scan3A_6 : i32
    %scan3A_8 = arith.constant 1 : i32
    scf.for %scan3A_21 = %scan3A_5 to %scan3A_7 step %scan3A_8  : i32 {
      %mul3A_22 = arith.constant 2 : i32
      %mul3A_23 = arith.muli %scan3A_21, %mul3A_22 : i32
      %add3A_24 = arith.constant 1 : i32
      %add3A_25 = arith.addi %mul3A_23, %add3A_24 : i32
      %dma_start3A = arith.constant 0 : i32
      %dma_start3A_26 = tpu.memref_slice %arg8[%mul3A_23, %dma_start3A] : memref<40x128xi32, #tpu.memory_space<vmem>> -> memref<1x128xi32, #tpu.memory_space<vmem>>
      %dma_start3A_27 = tpu.memref_squeeze %dma_start3A_26 : memref<1x128xi32, #tpu.memory_space<vmem>> -> memref<128xi32, #tpu.memory_space<vmem>>
      %dma_start3A_28 = arith.constant 0 : i32
      %dma_start3A_29 = arith.constant 0 : i32
      %dma_start3A_30 = tpu.memref_slice %arg2[%dma_start3A_28, %dma_start3A_29] : memref<10000x128xf32, #tpu.memory_space<hbm>> -> memref<10000x128xf32, #tpu.memory_space<hbm>>
      tpu.enqueue_indirect_dma source(%dma_start3A_30 : memref<10000x128xf32, #tpu.memory_space<hbm>>) target(%arg9 : memref<128x128xf32, #tpu.memory_space<vmem>>) offsets(%dma_start3A_27 : memref<128xi32, #tpu.memory_space<vmem>>) semaphore(%arg11 : memref<!tpu.dma_semaphore, #tpu.memory_space<semaphore_mem>>)
      %dma_start3A_31 = arith.constant 0 : i32
      %dma_start3A_32 = tpu.memref_slice %arg8[%add3A_25, %dma_start3A_31] : memref<40x128xi32, #tpu.memory_space<vmem>> -> memref<1x128xi32, #tpu.memory_space<vmem>>
      %dma_start3A_33 = tpu.memref_squeeze %dma_start3A_32 : memref<1x128xi32, #tpu.memory_space<vmem>> -> memref<128xi32, #tpu.memory_space<vmem>>
      %dma_start3A_34 = arith.constant 0 : i32
      %dma_start3A_35 = arith.constant 0 : i32
      %dma_start3A_36 = tpu.memref_slice %arg2[%dma_start3A_34, %dma_start3A_35] : memref<10000x128xf32, #tpu.memory_space<hbm>> -> memref<10000x128xf32, #tpu.memory_space<hbm>>
      tpu.enqueue_indirect_dma source(%dma_start3A_36 : memref<10000x128xf32, #tpu.memory_space<hbm>>) target(%arg10 : memref<128x128xf32, #tpu.memory_space<vmem>>) offsets(%dma_start3A_33 : memref<128xi32, #tpu.memory_space<vmem>>) semaphore(%arg12 : memref<!tpu.dma_semaphore, #tpu.memory_space<semaphore_mem>>)
      %dma_wait3A = arith.constant 0 : i32
      %dma_wait3A_37 = tpu.memref_slice %arg8[%mul3A_23, %dma_wait3A] : memref<40x128xi32, #tpu.memory_space<vmem>> -> memref<1x128xi32, #tpu.memory_space<vmem>>
      %dma_wait3A_38 = tpu.memref_squeeze %dma_wait3A_37 : memref<1x128xi32, #tpu.memory_space<vmem>> -> memref<128xi32, #tpu.memory_space<vmem>>
      %dma_wait3A_39 = arith.constant 0 : i32
      %dma_wait3A_40 = arith.constant 0 : i32
      %dma_wait3A_41 = tpu.memref_slice %arg2[%dma_wait3A_39, %dma_wait3A_40] : memref<10000x128xf32, #tpu.memory_space<hbm>> -> memref<10000x128xf32, #tpu.memory_space<hbm>>
      tpu.wait_indirect_dma semaphore(%arg11 : memref<!tpu.dma_semaphore, #tpu.memory_space<semaphore_mem>>) src(%dma_wait3A_41 : memref<10000x128xf32, #tpu.memory_space<hbm>>) dst(%arg9 : memref<128x128xf32, #tpu.memory_space<vmem>>)
      "tpu.region"() ({
        %run_scoped3A = tpu.sem_alloc : memref<!tpu.dma_semaphore, #tpu.memory_space<semaphore_mem>>
        %dma_start3A_48 = arith.constant 0 : i32
        %dma_start3A_49 = tpu.memref_slice %arg7[%mul3A_23, %dma_start3A_48] : memref<40x128xi32, #tpu.memory_space<vmem>> -> memref<1x128xi32, #tpu.memory_space<vmem>>
        %dma_start3A_50 = tpu.memref_squeeze %dma_start3A_49 : memref<1x128xi32, #tpu.memory_space<vmem>> -> memref<128xi32, #tpu.memory_space<vmem>>
        %dma_start3A_51 = arith.constant 0 : i32
        %dma_start3A_52 = arith.constant 0 : i32
        %dma_start3A_53 = tpu.memref_slice %arg13[%dma_start3A_51, %dma_start3A_52] : memref<10112x128xf32, #tpu.memory_space<vmem_shared>> -> memref<10112x128xf32, #tpu.memory_space<vmem_shared>>
        tpu.enqueue_indirect_dma source(%arg9 : memref<128x128xf32, #tpu.memory_space<vmem>>) target(%dma_start3A_53 : memref<10112x128xf32, #tpu.memory_space<vmem_shared>>) offsets(%dma_start3A_50 : memref<128xi32, #tpu.memory_space<vmem>>) semaphore(%run_scoped3A : memref<!tpu.dma_semaphore, #tpu.memory_space<semaphore_mem>>) {add = true}
        %dma_wait3A_54 = arith.constant 0 : i32
        %dma_wait3A_55 = tpu.memref_slice %arg7[%mul3A_23, %dma_wait3A_54] : memref<40x128xi32, #tpu.memory_space<vmem>> -> memref<1x128xi32, #tpu.memory_space<vmem>>
        %dma_wait3A_56 = tpu.memref_squeeze %dma_wait3A_55 : memref<1x128xi32, #tpu.memory_space<vmem>> -> memref<128xi32, #tpu.memory_space<vmem>>
        %dma_wait3A_57 = arith.constant 0 : i32
        %dma_wait3A_58 = arith.constant 0 : i32
        %dma_wait3A_59 = tpu.memref_slice %arg13[%dma_wait3A_57, %dma_wait3A_58] : memref<10112x128xf32, #tpu.memory_space<vmem_shared>> -> memref<10112x128xf32, #tpu.memory_space<vmem_shared>>
        tpu.wait_indirect_dma semaphore(%run_scoped3A : memref<!tpu.dma_semaphore, #tpu.memory_space<semaphore_mem>>) src(%arg9 : memref<128x128xf32, #tpu.memory_space<vmem>>) dst(%dma_wait3A_59 : memref<10112x128xf32, #tpu.memory_space<vmem_shared>>)
        tpu.yield
      }) : () -> ()
      %dma_wait3A_42 = arith.constant 0 : i32
      %dma_wait3A_43 = tpu.memref_slice %arg8[%add3A_25, %dma_wait3A_42] : memref<40x128xi32, #tpu.memory_space<vmem>> -> memref<1x128xi32, #tpu.memory_space<vmem>>
      %dma_wait3A_44 = tpu.memref_squeeze %dma_wait3A_43 : memref<1x128xi32, #tpu.memory_space<vmem>> -> memref<128xi32, #tpu.memory_space<vmem>>
      %dma_wait3A_45 = arith.constant 0 : i32
      %dma_wait3A_46 = arith.constant 0 : i32
      %dma_wait3A_47 = tpu.memref_slice %arg2[%dma_wait3A_45, %dma_wait3A_46] : memref<10000x128xf32, #tpu.memory_space<hbm>> -> memref<10000x128xf32, #tpu.memory_space<hbm>>
      tpu.wait_indirect_dma semaphore(%arg12 : memref<!tpu.dma_semaphore, #tpu.memory_space<semaphore_mem>>) src(%dma_wait3A_47 : memref<10000x128xf32, #tpu.memory_space<hbm>>) dst(%arg10 : memref<128x128xf32, #tpu.memory_space<vmem>>)
      "tpu.region"() ({
        %run_scoped3A = tpu.sem_alloc : memref<!tpu.dma_semaphore, #tpu.memory_space<semaphore_mem>>
        %dma_start3A_48 = arith.constant 0 : i32
        %dma_start3A_49 = tpu.memref_slice %arg7[%add3A_25, %dma_start3A_48] : memref<40x128xi32, #tpu.memory_space<vmem>> -> memref<1x128xi32, #tpu.memory_space<vmem>>
        %dma_start3A_50 = tpu.memref_squeeze %dma_start3A_49 : memref<1x128xi32, #tpu.memory_space<vmem>> -> memref<128xi32, #tpu.memory_space<vmem>>
        %dma_start3A_51 = arith.constant 0 : i32
        %dma_start3A_52 = arith.constant 0 : i32
        %dma_start3A_53 = tpu.memref_slice %arg13[%dma_start3A_51, %dma_start3A_52] : memref<10112x128xf32, #tpu.memory_space<vmem_shared>> -> memref<10112x128xf32, #tpu.memory_space<vmem_shared>>
        tpu.enqueue_indirect_dma source(%arg10 : memref<128x128xf32, #tpu.memory_space<vmem>>) target(%dma_start3A_53 : memref<10112x128xf32, #tpu.memory_space<vmem_shared>>) offsets(%dma_start3A_50 : memref<128xi32, #tpu.memory_space<vmem>>) semaphore(%run_scoped3A : memref<!tpu.dma_semaphore, #tpu.memory_space<semaphore_mem>>) {add = true}
        %dma_wait3A_54 = arith.constant 0 : i32
        %dma_wait3A_55 = tpu.memref_slice %arg7[%add3A_25, %dma_wait3A_54] : memref<40x128xi32, #tpu.memory_space<vmem>> -> memref<1x128xi32, #tpu.memory_space<vmem>>
        %dma_wait3A_56 = tpu.memref_squeeze %dma_wait3A_55 : memref<1x128xi32, #tpu.memory_space<vmem>> -> memref<128xi32, #tpu.memory_space<vmem>>
        %dma_wait3A_57 = arith.constant 0 : i32
        %dma_wait3A_58 = arith.constant 0 : i32
        %dma_wait3A_59 = tpu.memref_slice %arg13[%dma_wait3A_57, %dma_wait3A_58] : memref<10112x128xf32, #tpu.memory_space<vmem_shared>> -> memref<10112x128xf32, #tpu.memory_space<vmem_shared>>
        tpu.wait_indirect_dma semaphore(%run_scoped3A : memref<!tpu.dma_semaphore, #tpu.memory_space<semaphore_mem>>) src(%arg10 : memref<128x128xf32, #tpu.memory_space<vmem>>) dst(%dma_wait3A_59 : memref<10112x128xf32, #tpu.memory_space<vmem_shared>>)
        tpu.yield
      }) : () -> ()
    }
    %scan3A_9 = arith.constant 20 : i32
    "tpu.region"() ({
      %run_scoped3A = tpu.sem_alloc : memref<!tpu.dma_semaphore, #tpu.memory_space<semaphore_mem>>
      %dma_start3A = arith.constant 0 : i32
      %dma_start3A_21 = arith.constant 0 : i32
      %dma_start3A_22 = tpu.memref_slice %arg4[%add3A, %dma_start3A, %dma_start3A_21] : memref<32x80x128xi32, #tpu.memory_space<hbm>> -> memref<1x80x128xi32, #tpu.memory_space<hbm>>
      %dma_start3A_23 = tpu.memref_squeeze %dma_start3A_22 : memref<1x80x128xi32, #tpu.memory_space<hbm>> -> memref<80x128xi32, #tpu.memory_space<hbm>>
      %dma_start3A_24 = arith.constant 40 : i32
      %dma_start3A_25 = arith.constant 0 : i32
      %dma_start3A_26 = tpu.memref_slice %dma_start3A_23[%dma_start3A_24, %dma_start3A_25] : memref<80x128xi32, #tpu.memory_space<hbm>> -> memref<40x128xi32, #tpu.memory_space<hbm>>
      %dma_start3A_27 = arith.constant 0 : i32
      %dma_start3A_28 = arith.constant 0 : i32
      %dma_start3A_29 = tpu.memref_slice %arg4[%add3A, %dma_start3A_27, %dma_start3A_28] : memref<32x80x128xi32, #tpu.memory_space<hbm>> -> memref<1x80x128xi32, #tpu.memory_space<hbm>>
      %dma_start3A_30 = tpu.memref_squeeze %dma_start3A_29 : memref<1x80x128xi32, #tpu.memory_space<hbm>> -> memref<80x128xi32, #tpu.memory_space<hbm>>
      %dma_start3A_31 = arith.constant 40 : i32
      %dma_start3A_32 = arith.constant 0 : i32
      %dma_start3A_33 = tpu.memref_slice %dma_start3A_30[%dma_start3A_31, %dma_start3A_32] : memref<80x128xi32, #tpu.memory_space<hbm>> -> memref<40x128xi32, #tpu.memory_space<hbm>>
      tpu.enqueue_dma source(%dma_start3A_33 : memref<40x128xi32, #tpu.memory_space<hbm>>) target(%arg7 : memref<40x128xi32, #tpu.memory_space<vmem>>) target_semaphore(%run_scoped3A : memref<!tpu.dma_semaphore, #tpu.memory_space<semaphore_mem>>)
      %dma_wait3A = arith.constant 0 : i32
      %dma_wait3A_34 = arith.constant 0 : i32
      %dma_wait3A_35 = tpu.memref_slice %arg4[%add3A, %dma_wait3A, %dma_wait3A_34] : memref<32x80x128xi32, #tpu.memory_space<hbm>> -> memref<1x80x128xi32, #tpu.memory_space<hbm>>
      %dma_wait3A_36 = tpu.memref_squeeze %dma_wait3A_35 : memref<1x80x128xi32, #tpu.memory_space<hbm>> -> memref<80x128xi32, #tpu.memory_space<hbm>>
      %dma_wait3A_37 = arith.constant 40 : i32
      %dma_wait3A_38 = arith.constant 0 : i32
      %dma_wait3A_39 = tpu.memref_slice %dma_wait3A_36[%dma_wait3A_37, %dma_wait3A_38] : memref<80x128xi32, #tpu.memory_space<hbm>> -> memref<40x128xi32, #tpu.memory_space<hbm>>
      %dma_wait3A_40 = arith.constant 0 : i32
      %dma_wait3A_41 = arith.constant 0 : i32
      %dma_wait3A_42 = tpu.memref_slice %arg4[%add3A, %dma_wait3A_40, %dma_wait3A_41] : memref<32x80x128xi32, #tpu.memory_space<hbm>> -> memref<1x80x128xi32, #tpu.memory_space<hbm>>
      %dma_wait3A_43 = tpu.memref_squeeze %dma_wait3A_42 : memref<1x80x128xi32, #tpu.memory_space<hbm>> -> memref<80x128xi32, #tpu.memory_space<hbm>>
      %dma_wait3A_44 = arith.constant 40 : i32
      %dma_wait3A_45 = arith.constant 0 : i32
      %dma_wait3A_46 = tpu.memref_slice %dma_wait3A_43[%dma_wait3A_44, %dma_wait3A_45] : memref<80x128xi32, #tpu.memory_space<hbm>> -> memref<40x128xi32, #tpu.memory_space<hbm>>
      tpu.wait_dma2 semaphore(%run_scoped3A : memref<!tpu.dma_semaphore, #tpu.memory_space<semaphore_mem>>) src(%dma_wait3A_46 : memref<40x128xi32, #tpu.memory_space<hbm>>) dst(%arg7 : memref<40x128xi32, #tpu.memory_space<vmem>>)
      tpu.yield
    }) : () -> ()
    "tpu.region"() ({
      %run_scoped3A = tpu.sem_alloc : memref<!tpu.dma_semaphore, #tpu.memory_space<semaphore_mem>>
      %dma_start3A = arith.constant 0 : i32
      %dma_start3A_21 = arith.constant 0 : i32
      %dma_start3A_22 = tpu.memref_slice %arg3[%add3A, %dma_start3A, %dma_start3A_21] : memref<32x80x128xi32, #tpu.memory_space<hbm>> -> memref<1x80x128xi32, #tpu.memory_space<hbm>>
      %dma_start3A_23 = tpu.memref_squeeze %dma_start3A_22 : memref<1x80x128xi32, #tpu.memory_space<hbm>> -> memref<80x128xi32, #tpu.memory_space<hbm>>
      %dma_start3A_24 = arith.constant 40 : i32
      %dma_start3A_25 = arith.constant 0 : i32
      %dma_start3A_26 = tpu.memref_slice %dma_start3A_23[%dma_start3A_24, %dma_start3A_25] : memref<80x128xi32, #tpu.memory_space<hbm>> -> memref<40x128xi32, #tpu.memory_space<hbm>>
      %dma_start3A_27 = arith.constant 0 : i32
      %dma_start3A_28 = arith.constant 0 : i32
      %dma_start3A_29 = tpu.memref_slice %arg3[%add3A, %dma_start3A_27, %dma_start3A_28] : memref<32x80x128xi32, #tpu.memory_space<hbm>> -> memref<1x80x128xi32, #tpu.memory_space<hbm>>
      %dma_start3A_30 = tpu.memref_squeeze %dma_start3A_29 : memref<1x80x128xi32, #tpu.memory_space<hbm>> -> memref<80x128xi32, #tpu.memory_space<hbm>>
      %dma_start3A_31 = arith.constant 40 : i32
      %dma_start3A_32 = arith.constant 0 : i32
      %dma_start3A_33 = tpu.memref_slice %dma_start3A_30[%dma_start3A_31, %dma_start3A_32] : memref<80x128xi32, #tpu.memory_space<hbm>> -> memref<40x128xi32, #tpu.memory_space<hbm>>
      tpu.enqueue_dma source(%dma_start3A_33 : memref<40x128xi32, #tpu.memory_space<hbm>>) target(%arg8 : memref<40x128xi32, #tpu.memory_space<vmem>>) target_semaphore(%run_scoped3A : memref<!tpu.dma_semaphore, #tpu.memory_space<semaphore_mem>>)
      %dma_wait3A = arith.constant 0 : i32
      %dma_wait3A_34 = arith.constant 0 : i32
      %dma_wait3A_35 = tpu.memref_slice %arg3[%add3A, %dma_wait3A, %dma_wait3A_34] : memref<32x80x128xi32, #tpu.memory_space<hbm>> -> memref<1x80x128xi32, #tpu.memory_space<hbm>>
      %dma_wait3A_36 = tpu.memref_squeeze %dma_wait3A_35 : memref<1x80x128xi32, #tpu.memory_space<hbm>> -> memref<80x128xi32, #tpu.memory_space<hbm>>
      %dma_wait3A_37 = arith.constant 40 : i32
      %dma_wait3A_38 = arith.constant 0 : i32
      %dma_wait3A_39 = tpu.memref_slice %dma_wait3A_36[%dma_wait3A_37, %dma_wait3A_38] : memref<80x128xi32, #tpu.memory_space<hbm>> -> memref<40x128xi32, #tpu.memory_space<hbm>>
      %dma_wait3A_40 = arith.constant 0 : i32
      %dma_wait3A_41 = arith.constant 0 : i32
      %dma_wait3A_42 = tpu.memref_slice %arg3[%add3A, %dma_wait3A_40, %dma_wait3A_41] : memref<32x80x128xi32, #tpu.memory_space<hbm>> -> memref<1x80x128xi32, #tpu.memory_space<hbm>>
      %dma_wait3A_43 = tpu.memref_squeeze %dma_wait3A_42 : memref<1x80x128xi32, #tpu.memory_space<hbm>> -> memref<80x128xi32, #tpu.memory_space<hbm>>
      %dma_wait3A_44 = arith.constant 40 : i32
      %dma_wait3A_45 = arith.constant 0 : i32
      %dma_wait3A_46 = tpu.memref_slice %dma_wait3A_43[%dma_wait3A_44, %dma_wait3A_45] : memref<80x128xi32, #tpu.memory_space<hbm>> -> memref<40x128xi32, #tpu.memory_space<hbm>>
      tpu.wait_dma2 semaphore(%run_scoped3A : memref<!tpu.dma_semaphore, #tpu.memory_space<semaphore_mem>>) src(%dma_wait3A_46 : memref<40x128xi32, #tpu.memory_space<hbm>>) dst(%arg8 : memref<40x128xi32, #tpu.memory_space<vmem>>)
      tpu.yield
    }) : () -> ()
    %scan3A_10 = arith.constant 0 : i32
    %scan3A_11 = arith.constant 0 : i32
    %scan3A_12 = arith.constant 20 : i32
    %scan3A_13 = arith.addi %scan3A_11, %scan3A_12 : i32
    %scan3A_14 = arith.constant 1 : i32
    scf.for %scan3A_21 = %scan3A_11 to %scan3A_13 step %scan3A_14  : i32 {
      %mul3A_22 = arith.constant 2 : i32
      %mul3A_23 = arith.muli %scan3A_21, %mul3A_22 : i32
      %add3A_24 = arith.constant 1 : i32
      %add3A_25 = arith.addi %mul3A_23, %add3A_24 : i32
      %dma_start3A = arith.constant 0 : i32
      %dma_start3A_26 = tpu.memref_slice %arg8[%mul3A_23, %dma_start3A] : memref<40x128xi32, #tpu.memory_space<vmem>> -> memref<1x128xi32, #tpu.memory_space<vmem>>
      %dma_start3A_27 = tpu.memref_squeeze %dma_start3A_26 : memref<1x128xi32, #tpu.memory_space<vmem>> -> memref<128xi32, #tpu.memory_space<vmem>>
      %dma_start3A_28 = arith.constant 0 : i32
      %dma_start3A_29 = arith.constant 0 : i32
      %dma_start3A_30 = tpu.memref_slice %arg2[%dma_start3A_28, %dma_start3A_29] : memref<10000x128xf32, #tpu.memory_space<hbm>> -> memref<10000x128xf32, #tpu.memory_space<hbm>>
      tpu.enqueue_indirect_dma source(%dma_start3A_30 : memref<10000x128xf32, #tpu.memory_space<hbm>>) target(%arg9 : memref<128x128xf32, #tpu.memory_space<vmem>>) offsets(%dma_start3A_27 : memref<128xi32, #tpu.memory_space<vmem>>) semaphore(%arg11 : memref<!tpu.dma_semaphore, #tpu.memory_space<semaphore_mem>>)
      %dma_start3A_31 = arith.constant 0 : i32
      %dma_start3A_32 = tpu.memref_slice %arg8[%add3A_25, %dma_start3A_31] : memref<40x128xi32, #tpu.memory_space<vmem>> -> memref<1x128xi32, #tpu.memory_space<vmem>>
      %dma_start3A_33 = tpu.memref_squeeze %dma_start3A_32 : memref<1x128xi32, #tpu.memory_space<vmem>> -> memref<128xi32, #tpu.memory_space<vmem>>
      %dma_start3A_34 = arith.constant 0 : i32
      %dma_start3A_35 = arith.constant 0 : i32
      %dma_start3A_36 = tpu.memref_slice %arg2[%dma_start3A_34, %dma_start3A_35] : memref<10000x128xf32, #tpu.memory_space<hbm>> -> memref<10000x128xf32, #tpu.memory_space<hbm>>
      tpu.enqueue_indirect_dma source(%dma_start3A_36 : memref<10000x128xf32, #tpu.memory_space<hbm>>) target(%arg10 : memref<128x128xf32, #tpu.memory_space<vmem>>) offsets(%dma_start3A_33 : memref<128xi32, #tpu.memory_space<vmem>>) semaphore(%arg12 : memref<!tpu.dma_semaphore, #tpu.memory_space<semaphore_mem>>)
      %dma_wait3A = arith.constant 0 : i32
      %dma_wait3A_37 = tpu.memref_slice %arg8[%mul3A_23, %dma_wait3A] : memref<40x128xi32, #tpu.memory_space<vmem>> -> memref<1x128xi32, #tpu.memory_space<vmem>>
      %dma_wait3A_38 = tpu.memref_squeeze %dma_wait3A_37 : memref<1x128xi32, #tpu.memory_space<vmem>> -> memref<128xi32, #tpu.memory_space<vmem>>
      %dma_wait3A_39 = arith.constant 0 : i32
      %dma_wait3A_40 = arith.constant 0 : i32
      %dma_wait3A_41 = tpu.memref_slice %arg2[%dma_wait3A_39, %dma_wait3A_40] : memref<10000x128xf32, #tpu.memory_space<hbm>> -> memref<10000x128xf32, #tpu.memory_space<hbm>>
      tpu.wait_indirect_dma semaphore(%arg11 : memref<!tpu.dma_semaphore, #tpu.memory_space<semaphore_mem>>) src(%dma_wait3A_41 : memref<10000x128xf32, #tpu.memory_space<hbm>>) dst(%arg9 : memref<128x128xf32, #tpu.memory_space<vmem>>)
      "tpu.region"() ({
        %run_scoped3A = tpu.sem_alloc : memref<!tpu.dma_semaphore, #tpu.memory_space<semaphore_mem>>
        %dma_start3A_48 = arith.constant 0 : i32
        %dma_start3A_49 = tpu.memref_slice %arg7[%mul3A_23, %dma_start3A_48] : memref<40x128xi32, #tpu.memory_space<vmem>> -> memref<1x128xi32, #tpu.memory_space<vmem>>
        %dma_start3A_50 = tpu.memref_squeeze %dma_start3A_49 : memref<1x128xi32, #tpu.memory_space<vmem>> -> memref<128xi32, #tpu.memory_space<vmem>>
        %dma_start3A_51 = arith.constant 0 : i32
        %dma_start3A_52 = arith.constant 0 : i32
        %dma_start3A_53 = tpu.memref_slice %arg13[%dma_start3A_51, %dma_start3A_52] : memref<10112x128xf32, #tpu.memory_space<vmem_shared>> -> memref<10112x128xf32, #tpu.memory_space<vmem_shared>>
        tpu.enqueue_indirect_dma source(%arg9 : memref<128x128xf32, #tpu.memory_space<vmem>>) target(%dma_start3A_53 : memref<10112x128xf32, #tpu.memory_space<vmem_shared>>) offsets(%dma_start3A_50 : memref<128xi32, #tpu.memory_space<vmem>>) semaphore(%run_scoped3A : memref<!tpu.dma_semaphore, #tpu.memory_space<semaphore_mem>>) {add = true}
        %dma_wait3A_54 = arith.constant 0 : i32
        %dma_wait3A_55 = tpu.memref_slice %arg7[%mul3A_23, %dma_wait3A_54] : memref<40x128xi32, #tpu.memory_space<vmem>> -> memref<1x128xi32, #tpu.memory_space<vmem>>
        %dma_wait3A_56 = tpu.memref_squeeze %dma_wait3A_55 : memref<1x128xi32, #tpu.memory_space<vmem>> -> memref<128xi32, #tpu.memory_space<vmem>>
        %dma_wait3A_57 = arith.constant 0 : i32
        %dma_wait3A_58 = arith.constant 0 : i32
        %dma_wait3A_59 = tpu.memref_slice %arg13[%dma_wait3A_57, %dma_wait3A_58] : memref<10112x128xf32, #tpu.memory_space<vmem_shared>> -> memref<10112x128xf32, #tpu.memory_space<vmem_shared>>
        tpu.wait_indirect_dma semaphore(%run_scoped3A : memref<!tpu.dma_semaphore, #tpu.memory_space<semaphore_mem>>) src(%arg9 : memref<128x128xf32, #tpu.memory_space<vmem>>) dst(%dma_wait3A_59 : memref<10112x128xf32, #tpu.memory_space<vmem_shared>>)
        tpu.yield
      }) : () -> ()
      %dma_wait3A_42 = arith.constant 0 : i32
      %dma_wait3A_43 = tpu.memref_slice %arg8[%add3A_25, %dma_wait3A_42] : memref<40x128xi32, #tpu.memory_space<vmem>> -> memref<1x128xi32, #tpu.memory_space<vmem>>
      %dma_wait3A_44 = tpu.memref_squeeze %dma_wait3A_43 : memref<1x128xi32, #tpu.memory_space<vmem>> -> memref<128xi32, #tpu.memory_space<vmem>>
      %dma_wait3A_45 = arith.constant 0 : i32
      %dma_wait3A_46 = arith.constant 0 : i32
      %dma_wait3A_47 = tpu.memref_slice %arg2[%dma_wait3A_45, %dma_wait3A_46] : memref<10000x128xf32, #tpu.memory_space<hbm>> -> memref<10000x128xf32, #tpu.memory_space<hbm>>
      tpu.wait_indirect_dma semaphore(%arg12 : memref<!tpu.dma_semaphore, #tpu.memory_space<semaphore_mem>>) src(%dma_wait3A_47 : memref<10000x128xf32, #tpu.memory_space<hbm>>) dst(%arg10 : memref<128x128xf32, #tpu.memory_space<vmem>>)
      "tpu.region"() ({
        %run_scoped3A = tpu.sem_alloc : memref<!tpu.dma_semaphore, #tpu.memory_space<semaphore_mem>>
        %dma_start3A_48 = arith.constant 0 : i32
        %dma_start3A_49 = tpu.memref_slice %arg7[%add3A_25, %dma_start3A_48] : memref<40x128xi32, #tpu.memory_space<vmem>> -> memref<1x128xi32, #tpu.memory_space<vmem>>
        %dma_start3A_50 = tpu.memref_squeeze %dma_start3A_49 : memref<1x128xi32, #tpu.memory_space<vmem>> -> memref<128xi32, #tpu.memory_space<vmem>>
        %dma_start3A_51 = arith.constant 0 : i32
        %dma_start3A_52 = arith.constant 0 : i32
        %dma_start3A_53 = tpu.memref_slice %arg13[%dma_start3A_51, %dma_start3A_52] : memref<10112x128xf32, #tpu.memory_space<vmem_shared>> -> memref<10112x128xf32, #tpu.memory_space<vmem_shared>>
        tpu.enqueue_indirect_dma source(%arg10 : memref<128x128xf32, #tpu.memory_space<vmem>>) target(%dma_start3A_53 : memref<10112x128xf32, #tpu.memory_space<vmem_shared>>) offsets(%dma_start3A_50 : memref<128xi32, #tpu.memory_space<vmem>>) semaphore(%run_scoped3A : memref<!tpu.dma_semaphore, #tpu.memory_space<semaphore_mem>>) {add = true}
        %dma_wait3A_54 = arith.constant 0 : i32
        %dma_wait3A_55 = tpu.memref_slice %arg7[%add3A_25, %dma_wait3A_54] : memref<40x128xi32, #tpu.memory_space<vmem>> -> memref<1x128xi32, #tpu.memory_space<vmem>>
        %dma_wait3A_56 = tpu.memref_squeeze %dma_wait3A_55 : memref<1x128xi32, #tpu.memory_space<vmem>> -> memref<128xi32, #tpu.memory_space<vmem>>
        %dma_wait3A_57 = arith.constant 0 : i32
        %dma_wait3A_58 = arith.constant 0 : i32
        %dma_wait3A_59 = tpu.memref_slice %arg13[%dma_wait3A_57, %dma_wait3A_58] : memref<10112x128xf32, #tpu.memory_space<vmem_shared>> -> memref<10112x128xf32, #tpu.memory_space<vmem_shared>>
        tpu.wait_indirect_dma semaphore(%run_scoped3A : memref<!tpu.dma_semaphore, #tpu.memory_space<semaphore_mem>>) src(%arg10 : memref<128x128xf32, #tpu.memory_space<vmem>>) dst(%dma_wait3A_59 : memref<10112x128xf32, #tpu.memory_space<vmem_shared>>)
        tpu.yield
      }) : () -> ()
    }
    %scan3A_15 = arith.constant 20 : i32
    %barrier3A_16 = arith.constant 0 : index
    tpu.barrier barrier_id(%barrier3A_16)
    %mul3A_17 = arith.constant 632 : i32
    %mul3A_18 = arith.muli %arg1, %mul3A_17 : i32
    %mul3A_19 = arith.constant 632 : i32
    %mul3A_20 = arith.muli %arg1, %mul3A_19 : i32
    "tpu.region"() ({
      %run_scoped3A = tpu.sem_alloc : memref<!tpu.dma_semaphore, #tpu.memory_space<semaphore_mem>>
      %dma_start3A = arith.constant 0 : i32
      %dma_start3A_21 = arith.constant 0 : i32
      %dma_start3A_22 = tpu.memref_slice %arg6[%arg0, %dma_start3A, %dma_start3A_21] : memref<2x10112x128xf32, #tpu.memory_space<hbm>> -> memref<1x10112x128xf32, #tpu.memory_space<hbm>>
      %dma_start3A_23 = tpu.memref_squeeze %dma_start3A_22 : memref<1x10112x128xf32, #tpu.memory_space<hbm>> -> memref<10112x128xf32, #tpu.memory_space<hbm>>
      %dma_start3A_24 = arith.constant 0 : i32
      %dma_start3A_25 = tpu.memref_slice %dma_start3A_23[%mul3A_20, %dma_start3A_24] : memref<10112x128xf32, #tpu.memory_space<hbm>> -> memref<632x128xf32, #tpu.memory_space<hbm>>
      %dma_start3A_26 = arith.constant 0 : i32
      %dma_start3A_27 = tpu.memref_slice %arg13[%mul3A_18, %dma_start3A_26] : memref<10112x128xf32, #tpu.memory_space<vmem_shared>> -> memref<632x128xf32, #tpu.memory_space<vmem_shared>>
      tpu.enqueue_dma source(%dma_start3A_27 : memref<632x128xf32, #tpu.memory_space<vmem_shared>>) target(%dma_start3A_25 : memref<632x128xf32, #tpu.memory_space<hbm>>) target_semaphore(%run_scoped3A : memref<!tpu.dma_semaphore, #tpu.memory_space<semaphore_mem>>)
      %dma_wait3A = arith.constant 0 : i32
      %dma_wait3A_28 = arith.constant 0 : i32
      %dma_wait3A_29 = tpu.memref_slice %arg6[%arg0, %dma_wait3A, %dma_wait3A_28] : memref<2x10112x128xf32, #tpu.memory_space<hbm>> -> memref<1x10112x128xf32, #tpu.memory_space<hbm>>
      %dma_wait3A_30 = tpu.memref_squeeze %dma_wait3A_29 : memref<1x10112x128xf32, #tpu.memory_space<hbm>> -> memref<10112x128xf32, #tpu.memory_space<hbm>>
      %dma_wait3A_31 = arith.constant 0 : i32
      %dma_wait3A_32 = tpu.memref_slice %dma_wait3A_30[%mul3A_20, %dma_wait3A_31] : memref<10112x128xf32, #tpu.memory_space<hbm>> -> memref<632x128xf32, #tpu.memory_space<hbm>>
      %dma_wait3A_33 = arith.constant 0 : i32
      %dma_wait3A_34 = tpu.memref_slice %arg13[%mul3A_18, %dma_wait3A_33] : memref<10112x128xf32, #tpu.memory_space<vmem_shared>> -> memref<632x128xf32, #tpu.memory_space<vmem_shared>>
      tpu.wait_dma2 semaphore(%run_scoped3A : memref<!tpu.dma_semaphore, #tpu.memory_space<semaphore_mem>>) src(%dma_wait3A_34 : memref<632x128xf32, #tpu.memory_space<vmem_shared>>) dst(%dma_wait3A_32 : memref<632x128xf32, #tpu.memory_space<hbm>>)
      tpu.yield
    }) : () -> ()
    return
  }
}

module attributes {stable_mosaic.version = 14 : i64} {
  func.func @_tc_mid(%arg0: memref<2x10112x128xf32, #tpu.memory_space<vmem>>, %arg1: memref<10000x128xf32, #tpu.memory_space<vmem>>, %arg2: memref<10112x16xf32, #tpu.memory_space<vmem>>, %arg3: memref<1x64xf32, #tpu.memory_space<vmem>>, %arg4: memref<1x64xf32, #tpu.memory_space<vmem>>, %arg5: memref<1x64xf32, #tpu.memory_space<vmem>>, %arg6: memref<10000x128xf32, #tpu.memory_space<vmem>>) attributes {dimension_semantics = [], scalar_prefetch = 0 : i64, scratch_operands = 0 : i64, tpu.core_type = #tpu.core_type<tc>} {
    %get3A = arith.constant 0 : index
    %get3A_0 = arith.constant 0 : index
    %get3A_1 = vector.load %arg2[%get3A, %get3A_0] : memref<10112x16xf32, #tpu.memory_space<vmem>>, vector<10112x16xf32>
    %slice3A = vector.extract_strided_slice %get3A_1 {offsets = [0, 0], sizes = [10000, 1], strides = [1, 1]} : vector<10112x16xf32> to vector<10000x1xf32>
    %get3A_2 = arith.constant 0 : index
    %get3A_3 = arith.constant 0 : index
    %get3A_4 = vector.load %arg1[%get3A_2, %get3A_3] : memref<10000x128xf32, #tpu.memory_space<vmem>>, vector<10000x128xf32>
    %slice3A_5 = vector.extract_strided_slice %get3A_4 {offsets = [0, 0], sizes = [10000, 64], strides = [1, 1]} : vector<10000x128xf32> to vector<10000x64xf32>
    %get3A_6 = arith.constant 0 : index
    %get3A_7 = arith.constant 0 : index
    %get3A_8 = arith.constant 0 : index
    %get3A_9 = vector.load %arg0[%get3A_6, %get3A_7, %get3A_8] : memref<2x10112x128xf32, #tpu.memory_space<vmem>>, vector<1x10112x128xf32>
    %get3A_10 = vector.shape_cast %get3A_9 : vector<1x10112x128xf32> to vector<10112x128xf32>
    %slice3A_11 = vector.extract_strided_slice %get3A_10 {offsets = [0, 0], sizes = [10000, 64], strides = [1, 1]} : vector<10112x128xf32> to vector<10000x64xf32>
    %get3A_12 = arith.constant 1 : index
    %get3A_13 = arith.constant 0 : index
    %get3A_14 = arith.constant 0 : index
    %get3A_15 = vector.load %arg0[%get3A_12, %get3A_13, %get3A_14] : memref<2x10112x128xf32, #tpu.memory_space<vmem>>, vector<1x10112x128xf32>
    %get3A_16 = vector.shape_cast %get3A_15 : vector<1x10112x128xf32> to vector<10112x128xf32>
    %slice3A_17 = vector.extract_strided_slice %get3A_16 {offsets = [0, 0], sizes = [10000, 64], strides = [1, 1]} : vector<10112x128xf32> to vector<10000x64xf32>
    %add3A = arith.addf %slice3A_11, %slice3A_17 : vector<10000x64xf32>
    %add3A_18 = arith.addf %add3A, %slice3A_5 : vector<10000x64xf32>
    %mul3A = vector.broadcast %slice3A : vector<10000x1xf32> to vector<10000x64xf32>
    %mul3A_19 = arith.mulf %add3A_18, %mul3A : vector<10000x64xf32>
    %get3A_20 = arith.constant 0 : index
    %get3A_21 = arith.constant 0 : index
    %get3A_22 = vector.load %arg3[%get3A_20, %get3A_21] : memref<1x64xf32, #tpu.memory_space<vmem>>, vector<1x64xf32>
    %add3A_23 = vector.broadcast %get3A_22 : vector<1x64xf32> to vector<10000x64xf32>
    %add3A_24 = arith.addf %mul3A_19, %add3A_23 : vector<10000x64xf32>
    %reduce_sum3A = arith.constant dense<0.000000e+00> : vector<64xf32>
    %reduce_sum3A_25 = vector.multi_reduction <add>, %add3A_24, %reduce_sum3A [0] : vector<10000x64xf32> to vector<64xf32>
    %broadcast_in_dim3A = vector.shape_cast %reduce_sum3A_25 : vector<64xf32> to vector<1x64xf32>
    %div3A = arith.constant 1.000000e+04 : f32
    %div3A_26 = vector.broadcast %div3A : f32 to vector<1x64xf32>
    %div3A_27 = arith.divf %broadcast_in_dim3A, %div3A_26 : vector<1x64xf32>
    %sub3A = vector.broadcast %div3A_27 : vector<1x64xf32> to vector<10000x64xf32>
    %sub3A_28 = arith.subf %add3A_24, %sub3A : vector<10000x64xf32>
    %integer_pow3A = arith.mulf %sub3A_28, %sub3A_28 : vector<10000x64xf32>
    %reduce_sum3A_29 = arith.constant dense<0.000000e+00> : vector<64xf32>
    %reduce_sum3A_30 = vector.multi_reduction <add>, %integer_pow3A, %reduce_sum3A_29 [0] : vector<10000x64xf32> to vector<64xf32>
    %broadcast_in_dim3A_31 = vector.shape_cast %reduce_sum3A_30 : vector<64xf32> to vector<1x64xf32>
    %div3A_32 = arith.constant 1.000000e+04 : f32
    %div3A_33 = vector.broadcast %div3A_32 : f32 to vector<1x64xf32>
    %div3A_34 = arith.divf %broadcast_in_dim3A_31, %div3A_33 : vector<1x64xf32>
    %sub3A_35 = vector.broadcast %div3A_27 : vector<1x64xf32> to vector<10000x64xf32>
    %sub3A_36 = arith.subf %add3A_24, %sub3A_35 : vector<10000x64xf32>
    %add3A_37 = arith.constant 9.99999974E-6 : f32
    %add3A_38 = vector.broadcast %add3A_37 : f32 to vector<1x64xf32>
    %add3A_39 = arith.addf %div3A_34, %add3A_38 : vector<1x64xf32>
    %rsqrt3A = math.rsqrt %add3A_39 : vector<1x64xf32>
    %mul3A_40 = vector.broadcast %rsqrt3A : vector<1x64xf32> to vector<10000x64xf32>
    %mul3A_41 = arith.mulf %sub3A_36, %mul3A_40 : vector<10000x64xf32>
    %get3A_42 = arith.constant 0 : index
    %get3A_43 = arith.constant 0 : index
    %get3A_44 = vector.load %arg4[%get3A_42, %get3A_43] : memref<1x64xf32, #tpu.memory_space<vmem>>, vector<1x64xf32>
    %mul3A_45 = vector.broadcast %get3A_44 : vector<1x64xf32> to vector<10000x64xf32>
    %mul3A_46 = arith.mulf %mul3A_41, %mul3A_45 : vector<10000x64xf32>
    %get3A_47 = arith.constant 0 : index
    %get3A_48 = arith.constant 0 : index
    %get3A_49 = vector.load %arg5[%get3A_47, %get3A_48] : memref<1x64xf32, #tpu.memory_space<vmem>>, vector<1x64xf32>
    %add3A_50 = vector.broadcast %get3A_49 : vector<1x64xf32> to vector<10000x64xf32>
    %add3A_51 = arith.addf %mul3A_46, %add3A_50 : vector<10000x64xf32>
    %max3A = arith.constant 0.000000e+00 : f32
    %max3A_52 = vector.broadcast %max3A : f32 to vector<10000x64xf32>
    %max3A_53 = arith.maximumf %add3A_51, %max3A_52 : vector<10000x64xf32>
    %mul3A_54 = vector.broadcast %slice3A : vector<10000x1xf32> to vector<10000x64xf32>
    %mul3A_55 = arith.mulf %max3A_53, %mul3A_54 : vector<10000x64xf32>
    %broadcast_in_dim3A_56 = arith.constant 0.000000e+00 : f32
    %broadcast_in_dim3A_57 = vector.broadcast %broadcast_in_dim3A_56 : f32 to vector<10000x64xf32>
    %concatenate3A = tpu.concatenate %mul3A_55, %broadcast_in_dim3A_57 in 1 : vector<10000x64xf32>, vector<10000x64xf32> -> vector<10000x128xf32>
    %swap3A = arith.constant 0 : index
    %swap3A_58 = arith.constant 0 : index
    %swap3A_59 = vector.load %arg6[%swap3A, %swap3A_58] : memref<10000x128xf32, #tpu.memory_space<vmem>>, vector<10000x128xf32>
    tpu.vector_store %arg6[%swap3A, %swap3A_58], %concatenate3A {strides = array<i32>} : memref<10000x128xf32, #tpu.memory_space<vmem>>, vector<10000x128xf32>,
    return
  }
}

module attributes {stable_mosaic.version = 14 : i64} {
  func.func @_tc_first(%arg0: memref<2x10112x128xf32, #tpu.memory_space<vmem>>, %arg1: memref<10000x128xf32, #tpu.memory_space<vmem>>, %arg2: memref<128x64xf32, #tpu.memory_space<vmem>>, %arg3: memref<10000x128xf32, #tpu.memory_space<vmem>>, %arg4: memref<10112x16xf32, #tpu.memory_space<vmem>>) attributes {dimension_semantics = [], scalar_prefetch = 0 : i64, scratch_operands = 0 : i64, tpu.core_type = #tpu.core_type<tc>} {
    %get3A = arith.constant 0 : index
    %get3A_0 = arith.constant 0 : index
    %get3A_1 = arith.constant 0 : index
    %get3A_2 = vector.load %arg0[%get3A, %get3A_0, %get3A_1] : memref<2x10112x128xf32, #tpu.memory_space<vmem>>, vector<1x10112x128xf32>
    %get3A_3 = vector.shape_cast %get3A_2 : vector<1x10112x128xf32> to vector<10112x128xf32>
    %slice3A = vector.extract_strided_slice %get3A_3 {offsets = [0, 0], sizes = [10112, 16], strides = [1, 1]} : vector<10112x128xf32> to vector<10112x16xf32>
    %add3A = arith.constant 1.000000e+00 : f32
    %add3A_4 = vector.broadcast %add3A : f32 to vector<10112x16xf32>
    %add3A_5 = arith.addf %add3A_4, %slice3A : vector<10112x16xf32>
    %get3A_6 = arith.constant 1 : index
    %get3A_7 = arith.constant 0 : index
    %get3A_8 = arith.constant 0 : index
    %get3A_9 = vector.load %arg0[%get3A_6, %get3A_7, %get3A_8] : memref<2x10112x128xf32, #tpu.memory_space<vmem>>, vector<1x10112x128xf32>
    %get3A_10 = vector.shape_cast %get3A_9 : vector<1x10112x128xf32> to vector<10112x128xf32>
    %slice3A_11 = vector.extract_strided_slice %get3A_10 {offsets = [0, 0], sizes = [10112, 16], strides = [1, 1]} : vector<10112x128xf32> to vector<10112x16xf32>
    %add3A_12 = arith.addf %add3A_5, %slice3A_11 : vector<10112x16xf32>
    %rsqrt3A = math.rsqrt %add3A_12 : vector<10112x16xf32>
    %swap3A = arith.constant 0 : index
    %swap3A_13 = arith.constant 0 : index
    %swap3A_14 = vector.load %arg4[%swap3A, %swap3A_13] : memref<10112x16xf32, #tpu.memory_space<vmem>>, vector<10112x16xf32>
    tpu.vector_store %arg4[%swap3A, %swap3A_13], %rsqrt3A {strides = array<i32>} : memref<10112x16xf32, #tpu.memory_space<vmem>>, vector<10112x16xf32>,
    %get3A_15 = arith.constant 0 : index
    %get3A_16 = arith.constant 0 : index
    %get3A_17 = vector.load %arg1[%get3A_15, %get3A_16] : memref<10000x128xf32, #tpu.memory_space<vmem>>, vector<10000x128xf32>
    %get3A_18 = arith.constant 0 : index
    %get3A_19 = arith.constant 0 : index
    %get3A_20 = vector.load %arg2[%get3A_18, %get3A_19] : memref<128x64xf32, #tpu.memory_space<vmem>>, vector<128x64xf32>
    %dot_general3A = arith.constant dense<0.000000e+00> : vector<10000x64xf32>
    %dot_general3A_21 = tpu.matmul %get3A_17, %get3A_20, %dot_general3A {dimension_numbers = #tpu.dot_dimension_numbers<[1], [0], [0], [1], [0, 0, 1, 1], [], []>, transpose_lhs_hint = false} : vector<10000x128xf32>, vector<128x64xf32>, vector<10000x64xf32> -> vector<10000x64xf32>
    %slice3A_22 = vector.extract_strided_slice %rsqrt3A {offsets = [0, 0], sizes = [10000, 1], strides = [1, 1]} : vector<10112x16xf32> to vector<10000x1xf32>
    %mul3A = vector.broadcast %slice3A_22 : vector<10000x1xf32> to vector<10000x64xf32>
    %mul3A_23 = arith.mulf %dot_general3A_21, %mul3A : vector<10000x64xf32>
    %broadcast_in_dim3A = arith.constant 0.000000e+00 : f32
    %broadcast_in_dim3A_24 = vector.broadcast %broadcast_in_dim3A : f32 to vector<10000x64xf32>
    %concatenate3A = tpu.concatenate %mul3A_23, %broadcast_in_dim3A_24 in 1 : vector<10000x64xf32>, vector<10000x64xf32> -> vector<10000x128xf32>
    %swap3A_25 = arith.constant 0 : index
    %swap3A_26 = arith.constant 0 : index
    %swap3A_27 = vector.load %arg3[%swap3A_25, %swap3A_26] : memref<10000x128xf32, #tpu.memory_space<vmem>>, vector<10000x128xf32>
    tpu.vector_store %arg3[%swap3A_25, %swap3A_26], %concatenate3A {strides = array<i32>} : memref<10000x128xf32, #tpu.memory_space<vmem>>, vector<10000x128xf32>,
    return
  }
}

module attributes {stable_mosaic.version = 14 : i64} {
  func.func @_tc_final(%arg0: memref<2x10112x128xf32, #tpu.memory_space<vmem>>, %arg1: memref<10000x128xf32, #tpu.memory_space<vmem>>, %arg2: memref<10112x16xf32, #tpu.memory_space<vmem>>, %arg3: memref<64x16xf32, #tpu.memory_space<vmem>>, %arg4: memref<1x16xf32, #tpu.memory_space<vmem>>, %arg5: memref<10000x16xf32, #tpu.memory_space<vmem>>) attributes {dimension_semantics = [], scalar_prefetch = 0 : i64, scratch_operands = 0 : i64, tpu.core_type = #tpu.core_type<tc>} {
    %get3A = arith.constant 0 : index
    %get3A_0 = arith.constant 0 : index
    %get3A_1 = vector.load %arg2[%get3A, %get3A_0] : memref<10112x16xf32, #tpu.memory_space<vmem>>, vector<10112x16xf32>
    %slice3A = vector.extract_strided_slice %get3A_1 {offsets = [0, 0], sizes = [10000, 1], strides = [1, 1]} : vector<10112x16xf32> to vector<10000x1xf32>
    %get3A_2 = arith.constant 0 : index
    %get3A_3 = arith.constant 0 : index
    %get3A_4 = vector.load %arg1[%get3A_2, %get3A_3] : memref<10000x128xf32, #tpu.memory_space<vmem>>, vector<10000x128xf32>
    %slice3A_5 = vector.extract_strided_slice %get3A_4 {offsets = [0, 0], sizes = [10000, 64], strides = [1, 1]} : vector<10000x128xf32> to vector<10000x64xf32>
    %get3A_6 = arith.constant 0 : index
    %get3A_7 = arith.constant 0 : index
    %get3A_8 = arith.constant 0 : index
    %get3A_9 = vector.load %arg0[%get3A_6, %get3A_7, %get3A_8] : memref<2x10112x128xf32, #tpu.memory_space<vmem>>, vector<1x10112x128xf32>
    %get3A_10 = vector.shape_cast %get3A_9 : vector<1x10112x128xf32> to vector<10112x128xf32>
    %slice3A_11 = vector.extract_strided_slice %get3A_10 {offsets = [0, 0], sizes = [10000, 64], strides = [1, 1]} : vector<10112x128xf32> to vector<10000x64xf32>
    %get3A_12 = arith.constant 1 : index
    %get3A_13 = arith.constant 0 : index
    %get3A_14 = arith.constant 0 : index
    %get3A_15 = vector.load %arg0[%get3A_12, %get3A_13, %get3A_14] : memref<2x10112x128xf32, #tpu.memory_space<vmem>>, vector<1x10112x128xf32>
    %get3A_16 = vector.shape_cast %get3A_15 : vector<1x10112x128xf32> to vector<10112x128xf32>
    %slice3A_17 = vector.extract_strided_slice %get3A_16 {offsets = [0, 0], sizes = [10000, 64], strides = [1, 1]} : vector<10112x128xf32> to vector<10000x64xf32>
    %add3A = arith.addf %slice3A_11, %slice3A_17 : vector<10000x64xf32>
    %add3A_18 = arith.addf %add3A, %slice3A_5 : vector<10000x64xf32>
    %mul3A = vector.broadcast %slice3A : vector<10000x1xf32> to vector<10000x64xf32>
    %mul3A_19 = arith.mulf %add3A_18, %mul3A : vector<10000x64xf32>
    %get3A_20 = arith.constant 0 : index
    %get3A_21 = arith.constant 0 : index
    %get3A_22 = vector.load %arg3[%get3A_20, %get3A_21] : memref<64x16xf32, #tpu.memory_space<vmem>>, vector<64x16xf32>
    %dot_general3A = arith.constant dense<0.000000e+00> : vector<10000x16xf32>
    %dot_general3A_23 = tpu.matmul %mul3A_19, %get3A_22, %dot_general3A {dimension_numbers = #tpu.dot_dimension_numbers<[1], [0], [0], [1], [0, 0, 1, 1], [], []>, transpose_lhs_hint = false} : vector<10000x64xf32>, vector<64x16xf32>, vector<10000x16xf32> -> vector<10000x16xf32>
    %get3A_24 = arith.constant 0 : index
    %get3A_25 = arith.constant 0 : index
    %get3A_26 = vector.load %arg4[%get3A_24, %get3A_25] : memref<1x16xf32, #tpu.memory_space<vmem>>, vector<1x16xf32>
    %add3A_27 = vector.broadcast %get3A_26 : vector<1x16xf32> to vector<10000x16xf32>
    %add3A_28 = arith.addf %dot_general3A_23, %add3A_27 : vector<10000x16xf32>
    %swap3A = arith.constant 0 : index
    %swap3A_29 = arith.constant 0 : index
    %swap3A_30 = vector.load %arg5[%swap3A, %swap3A_29] : memref<10000x16xf32, #tpu.memory_space<vmem>>, vector<10000x16xf32>
    tpu.vector_store %arg5[%swap3A, %swap3A_29], %add3A_28 {strides = array<i32>} : memref<10000x16xf32, #tpu.memory_space<vmem>>, vector<10000x16xf32>,
    return
  }
}

</mosaic_0001>

<sc_bundles>
// kernel: kernel.11.cloned.1.call-start
scs
__scs_entry_jumppad:
0x0: {  	(pc) =	sbr.rel $0x88, $3  }
0x1: {  	(tag) =	ssettag $0x0;
	lr =	simm.s32 $0x1  }
0x2: {  	[smem:$0x3F99] =	sst lr;
	_ =	strace $0xD0000000  }
0x3: {  	_ = 	snop  }
0x4: {  	_ = 	snop  }
0x5: {  	_ = 	snop  }
0x6: {  	_ = 	snop  }
0x7: {  	_ = 	snop  }
__scs_overlays_trampoline_lowered:
0x8: {  	[smem:$0x3FA8] =	sst s0  }
0x9: {  	[smem:$0x3FA9] =	sst s1  }
0xa: {  	[smem:$0x3FAA] =	sst s2  }
0xb: {  	[smem:$0x3FAB] =	sst s3  }
0xc: {  	[smem:$0x3FAC] =	sst s4  }
0xd: {  	[smem:$0x3FAD] =	sst s5  }
0xe: {  	[smem:$0x3FAE] =	sst s6  }
0xf: {  	[smem:$0x3FAF] =	sst s7  }
0x10: {  	[smem:$0x3FB0] =	sst s8  }
0x11: {  	[smem:$0x3FB1] =	sst s9;
	s0 =	simm.s32 @!p0 $0x0  }
0x12: {  	s1 =	sld [smem:$0x3F97];
	s0 =	simm.s32 @p0 $0x1  }
0x13: {  	[smem:$0x3FB2] =	sst s0;
	s0 =	simm.s32 @!p1 $0x0  }
0x14: {  	s2 =	sld [smem:$0x3F96];
	s0 =	simm.s32 @p1 $0x1  }
0x15: {  	[smem:$0x3FB3] =	sst s0;
	s0 =	simm.s32 @!p2 $0x0  }
0x16: {  	s3 =	sld [smem:$0x3FDB];
	s0 =	simm.s32 @p2 $0x1  }
0x17: {  	s4 =	simm.s32 $0x1BF5;
	[smem:$0x3FB5] =	sst s0  }
0x18: {  	s0 =	sld [smem:$0x3F98];
	_ =	swait.ge [sflag:s4], $0x0  }
0x19: {  	s7 =	sld [smem:$0x3F99]  }
0x1a: {  	s8 =	sadd.s32 $0xFFFFE003, lr  }
0x1b: {  	s9 =	sadd.s32 $0xFFFFFEF7, lr;
	s5 =	simm.s32 $0xFFFFFFFF;
	p2 =	slt.u32 s8, $0xFFFFF086  }
0x1c: {  	p1 =	slt.u32 s9, $0xF7A;
	s5 =	simm.s32 @!p2 $0x0  }
0x1d: {  	s5 =	simm.s32 @p1 $0x1;
	p0 =	seq.s32 s7, s2  }
0x1e: {  	s7 =	smul.u32 @!p0 $0xF7A, s2;
	p2 =	seq.s32 @!p0 s5, $0x0  }
0x1f: {  	s9 =	smul.u32 $0xF7A, s1;
	s8 =	simm.s32 @!p0 $0x1BF5;
	p2 =	por !p2, p0  }
0x20: {  	[sflag:s8] =	ssyncset.s32 @!p0 $0xFFFFF086;
	s6 =	sadd.s32 @!p0 s3, s7;
	s7 =	simm.s32 @!p0 $0x108  }
0x21: {  	s3 =	sadd.s32 s3, s9;
	s6 =	sadd.s32 @!p0 $0x88, s6;
	s7 =	simm.s32 @p2 $0x1082  }
0x22: {  	[simem:s7], [sflag:s8] =	dma.local @!p0 [hbm:s6], $0xF7A  }
0x23: {  	s9 =	sor.u32 $0xD0000000, s2;
	s6 =	simm.s32 $0x108;
	_ =	swait.ge @!p0 [sflag:s8], $0x0  }
0x24: {  	s3 =	sadd.s32 $0x88, s3;
	s6 =	simm.s32 @!p1 $0x1082;
	[sflag:s4] =	ssyncset.s32 $0xFFFFF086  }
0x25: {  	[simem:s6], [sflag:s4] =	dma.local [hbm:s3], $0xF7A  }
0x26: {  	[smem:$0x3F99] =	sst s1;
	(tag) =	ssettag s2;
	_ =	strace s9  }
0x27: {  	s1 =	sld [smem:$0x3FA9]  }
0x28: {  	s2 =	sld [smem:$0x3FAA]  }
0x29: {  	s4 =	sld [smem:$0x3FAC]  }
0x2a: {  	p0 =	seq.s32 s5, $0x0;
	s5 =	sld [smem:$0x3FAD]  }
0x2b: {  	s6 =	sld [smem:$0x3FAE]  }
0x2c: {  	s7 =	sld [smem:$0x3FAF]  }
0x2d: {  	s3 =	simm.s32 $0x108;
	s8 =	sld [smem:$0x3FB0]  }
0x2e: {  	s3 =	simm.s32 @!p0 $0x1082;
	s9 =	sld [smem:$0x3FB1]  }
0x2f: {  	lr =	sadd.s32 s0, s3;
	s0 =	sld [smem:$0x3FA8]  }
0x30: {  	s3 =	sld [smem:$0x3FAB]  }
0x31: {  	[smem:$0x3FB4] =	sst s10  }
0x32: {  	s10 =	sld [smem:$0x3FB2];
	_ =	sdelay $0x3  }
0x33: {  	p0 =	seq.s32 s10, $0x1;
	s10 =	sld [smem:$0x3FB4];
	_ =	sdelay $0x3  }
0x34: {  	[smem:$0x3FB4] =	sst s10  }
0x35: {  	s10 =	sld [smem:$0x3FB3];
	_ =	sdelay $0x3  }
0x36: {  	p1 =	seq.s32 s10, $0x1;
	s10 =	sld [smem:$0x3FB4];
	_ =	sdelay $0x3  }
0x37: {  	[smem:$0x3FB4] =	sst s10  }
0x38: {  	s10 =	sld [smem:$0x3FB5]  }
0x39: {  	_ = 	snop;
	(pc) =	sbr.ind lr, $3  }
0x3a: {  	_ = 	snop  }
0x3b: {  	_ = 	snop  }
0x3c: {  	p2 =	seq.s32 s10, $0x1;
	s10 =	sld [smem:$0x3FB4]  }
0x3d: {  	_ =	shalt  }
0x3e: {  	_ =	shalt  }
0x3f: {  	_ =	shalt  }
0x40: {  	_ =	shalt  }
0x41: {  	_ =	shalt  }
0x42: {  	_ =	shalt  }
0x43: {  	_ =	shalt  }
0x44: {  	_ =	shalt  }
0x45: {  	_ =	shalt  }
0x46: {  	_ =	shalt  }
0x47: {  	_ =	shalt  }
0x48: {  	_ =	shalt  }
0x49: {  	_ =	shalt  }
0x4a: {  	_ =	shalt  }
0x4b: {  	_ =	shalt  }
0x4c: {  	_ =	shalt  }
0x4d: {  	_ =	shalt  }
0x4e: {  	_ =	shalt  }
0x4f: {  	_ =	shalt  }
0x50: {  	_ =	shalt  }
0x51: {  	_ =	shalt  }
0x52: {  	_ =	shalt  }
0x53: {  	_ =	shalt  }
0x54: {  	_ =	shalt  }
0x55: {  	_ =	shalt  }
0x56: {  	_ =	shalt  }
0x57: {  	_ =	shalt  }
0x58: {  	_ =	shalt  }
0x59: {  	_ =	shalt  }
0x5a: {  	_ =	shalt  }
0x5b: {  	_ =	shalt  }
0x5c: {  	_ =	shalt  }
0x5d: {  	_ =	shalt  }
0x5e: {  	_ =	shalt  }
0x5f: {  	_ =	shalt  }
0x60: {  	_ =	shalt  }
0x61: {  	_ =	shalt  }
0x62: {  	_ =	shalt  }
0x63: {  	_ =	shalt  }
0x64: {  	_ =	shalt  }
0x65: {  	_ =	shalt  }
0x66: {  	_ =	shalt  }
0x67: {  	_ =	shalt  }
0x68: {  	_ =	shalt  }
0x69: {  	_ =	shalt  }
0x6a: {  	_ =	shalt  }
0x6b: {  	_ =	shalt  }
0x6c: {  	_ =	shalt  }
0x6d: {  	_ =	shalt  }
0x6e: {  	_ =	shalt  }
0x6f: {  	_ =	shalt  }
0x70: {  	_ =	shalt  }
0x71: {  	_ =	shalt  }
0x72: {  	_ =	shalt  }
0x73: {  	_ =	shalt  }
0x74: {  	_ =	shalt  }
0x75: {  	_ =	shalt  }
0x76: {  	_ =	shalt  }
0x77: {  	_ =	shalt  }
0x78: {  	_ =	shalt  }
0x79: {  	_ =	shalt  }
0x7a: {  	_ =	shalt  }
0x7b: {  	_ =	shalt  }
0x7c: {  	_ =	shalt  }
0x7d: {  	_ =	shalt  }
0x7e: {  	_ =	shalt  }
0x7f: {  	_ =	shalt  }
0x80: {  	_ =	shalt  }
0x81: {  	_ =	shalt  }
0x82: {  	_ =	shalt  }
0x83: {  	_ =	shalt  }
0x84: {  	_ =	shalt  }
0x85: {  	_ =	shalt  }
0x86: {  	_ =	shalt  }
0x87: {  	_ =	shalt  }
.Lfunc_end0:
.L_simem_size_0:
called_computation.1_lowered:
.L_overlay_start_0:
0x88: {  	s2 =	sld [smem:$0x3FD9]  }
0x89: {  	s3 =	sld [smem:$0x3FFE];
	_ =	sdelay $0x1  }
0x8a: {  	s1 =	srdreg.scid  }
0x8b: {  	s0 =	sand.u32 $0x1, s1  }
0x8c: {  	s16 =	sshll.u32 s0, $0xA;
	s2 =	sadd.s32 s3, s2  }
0x8d: {  	s2 =	sadd.s32 s2, s16  }
0x8e: {  	[smem:$0x3FC0] =	sst s2  }
0x8f: {  	_ = 	snop  }
0x90: {  	(tm) =	ssettm $0x1  }
0x91: {  	s17 =	sld [smem:$0x3FFB];
	_ =	sdelay $0x3  }
0x92: {  	_ =	strace s17  }
0x93: {  	s2 =	sld [smem:$0x3FFC];
	_ =	sdelay $0x3  }
0x94: {  	_ =	strace s2  }
0x95: {  	s2 =	sld [smem:$0x3FFD];
	_ =	sdelay $0x3  }
0x96: {  	_ =	strace s2  }
0x97: {  	_ =	strace $0x8FFFFFFF  }
0x98: {  	s18 =	sld [smem:$0x3FDB];
	_ =	sdelay $0x1  }
0x99: {  	s19 =	simm.s32 $_scs_section_size  }
0x9a: {  	s4 =	simm.s32 $_size__tile_overlayer_lowered;
	s5 =	simm.s32 $_tile_overlayer_lowered  }
0x9b: {  	s22 =	simm.s32 $0x1BFF;
	s21 =	sshll.u32 s5, $0x1;
	s2 =	sadd.s32 s19, s18  }
0x9c: {  	s6 =	simm.s32 $0x0;
	s20 =	sshll.u32 s4, $0x1;
	s4 =	sadd.s32 s21, s2  }
0x9d: {  	[timem:s6], [sflag:s22] =	dma.local [hbm:s4], s20  }
0x9e: {  	_ =	swait.ge [sflag:s22], s20  }
0x9f: {  	s3 =	ssub.s32 $0x0, s20;
	[sflag:s22] =	ssyncset.done $0x0  }
0xa0: {  	[sflag:s22] =	ssyncadd.s32 s3;
	_ =	sdelay $0x1  }
0xa1: {  	s23 =	simm.s32 $0x1B8B  }
0xa2: {  	_ =	swait.ge [sflag:s23], $0x1  }
0xa3: {  	[sflag:s23] =	ssyncset.done $0x0  }
0xa4: {  	s25 =	simm.s32 $0x1B8E;
	s24 =	sld [smem:$0x3FFE];
	[sflag:s23] =	ssyncadd.s32 $0xFFFFFFFF  }
0xa5: {  	s26 =	simm.s32 $execute0_lowered;
	[smem:$0x3FD2] =	sst s25  }
0xa6: {  	s4 =	sshll.u32 s26, $0x1;
	_ =	strace $0x80000049;
	[dreg:$0x1] =	wrdreg $0xFFFFFFFF  }
0xa7: {  	s28 =	simm.s32 $_size_execute0_lowered;
	s2 =	sadd.s32 s2, s4;
	[dreg:$0x0] =	wrdreg $0x0  }
0xa8: {  	s4 =	sshll.u32 s28, $0x1;
	[dreg:$0x2] =	wrdreg s2  }
0xa9: {  	[dreg:$0x3] =	wrdreg s4  }
0xaa: {  	[dreg:$0x4] =	wrdreg $0xC0  }
0xab: {  	_ =	task [dreg:s6], $0x5FFFF  }
0xac: {  	[dreg:$0x1] =	wrdreg $0xFFFFFFFF  }
0xad: {  	[dreg:$0x0] =	wrdreg $0x60  }
0xae: {  	[dreg:$0x2] =	wrdreg s24  }
0xaf: {  	[dreg:$0x3] =	wrdreg $0xA8000  }
0xb0: {  	[dreg:$0x4] =	wrdreg $0x9  }
0xb1: {  	_ =	task.clear_ibuf [dreg:s6], $0x5FFFF;
	_ =	strace $0x90000049  }
0xb2: {  	s29 =	simm.s32 $0x9;
	_ =	strace $0x8000004B  }
0xb3: {  	_ =	swait.ge [sflag:s29], $0x1  }
0xb4: {  	[sflag:s29] =	ssyncadd.s32 $0xFFFFFFFF  }
0xb5: {  	_ =	strace $0x9000004B  }
0xb6: {  	_ =	sfence  }
0xb7: {  	s30 =	sld [smem:$0x0];
	_ =	sdelay $0x2  }
0xb8: {  	s31 =	sshll.u32 s1, $0xD;
	s1 =	sshrl.u32 s1, $0x2  }
0xb9: {  	s3 =	sand.u32 $0x4000, s31;
	s1 =	sadd.s32 s1, s30  }
0xba: {  	s0 =	sor.u32 s3, s0;
	s1 =	sshll.u32 s1, $0x11  }
0xbb: {  	s0 =	sor.u32 s1, s0  }
0xbc: {  	s0 =	sadd.s32 $0x8F2B, s0  }
0xbd: {  	[sflag:s0] =	ssyncadd.remote.s32 $0x1  }
0xbe: {  	_ =	sfence.sel $0xFFFF  }
0xbf: {  	[dreg:$0x0] =	wrdreg $0xFFFFFFFF;
	(pc) =	sbr.abs _section_cstart, $3  }
0xc0: {  	[dreg:$0x1] =	wrdreg $0xFFFFFFFF  }
0xc1: {  	_ =	task.clear_ibuf [dreg:s6], $0x2FFFF;
	_ =	strace $0x9FFFFFFF  }
0xc2: {  	(tm) =	ssettm $0x7FFFFFFF  }
0xc3: {  	_ =	shalt  }
tec
execute0_lowered:
.L_overlay_start_1:
0x0: {  	(tag) =	ssettag $0x1  }
0x1: {  	s6 =	rddreg [dreg:$0x0]  }
0x2: {  	s0 =	srdreg.scid;
	s2 =	rddreg [dreg:$0x1];
	s3 =	simm.s32 $0x0  }
0x3: {  	s13 =	simm.s32 $0x80;
	s14 =	simm.s32 $0x2800;
	s15 =	simm.s32 $0x6800  }
0x4: {  	s16 =	simm.s32 $0x1;
	s5 =	sand.u32 $0x1, s0;
	s0 =	stileid.u32  }
0x5: {  	s17 =	simm.s32 $0x2;
	[smem:$0x7FF] =	sst s3;
	s20 =	smul.u32 $0x2780, s0  }
0x6: {  	s4 =	sadd.s32 $0x3E000, s6;
	s1 =	sshll.u32 s5, $0x4;
	s8 =	smul.u32 $0x27800, s5  }
0x7: {  	s9 =	smul.u32 $0x4F000, s0;
	s5 =	ssub.s32 $0x2, s5;
	s1 =	sor.u32 s0, s1  }
0x8: {  	s31 =	sshll.u32 s0, $0x6;
	s28 =	sshrl.u32 s5, $0x1;
	s7 =	smul.u32 $0x500, s1  }
0x9: {  	s1 =	rddreg [dreg:$0x2];
	_ =	strace $0x8000004A;
	s26 =	sadd.s32 s20, s6  }
0xa: {  	s11 =	sadd.s32 s8, s6;
	s29 =	sshrl.u32 s9, $0x2;
	s30 =	ssub.s32 s5, s28  }
0xb: {  	s12 =	sadd.s32 s29, s2;
	s5 =	sadd.s32 $0x16800, s26;
	s21 =	sadd.s32 $0x65200, s11  }
0xc: {  	s9 =	smax.u32 s30, $0x1;
	s11 =	simm.s32 $0x3;
	s10 =	sadd.s32 s7, s6  }
0xd: {  	s6 =	sor.u32 $0x1C03, s31;
	s20 =	sadd.s32 s20, s21;
	s21 =	simm.s32 $0x0  }
0xe: {  	s7 =	sadd.s32 $0xC800, s10;
	s8 =	sadd.s32 $0x2800, s10;
	s10 =	sshrl.u32 s12, $0x3  }
0xf: {  	s12 =	simm.s32 $0x1400;
	s18 =	sadd.s32 $0x280, s7;
	s19 =	sadd.s32 $0x280, s8  }
.LBB2_1:
0x10: {  	[spmem:s10], [sflag:s6] =	dma.local [hbm:s5], $0x2780  }
0x11: {  	_ =	swait.ge [sflag:s11], $0x2780  }
0x12: {  	[sflag:s11] =	ssyncset.done $0x0  }
0x13: {  	[sflag:s11] =	ssyncadd.s32 $0xFFFFD880  }
0x14: {  	[bflag:$0x0] =	sbarrier.arrive $0xFFFF  }
0x15: {  	[tilespmem:s3], [sflag:$0x3] =	stream.linear.gather [hbm4b:s7+s3], $0x1400, $0x38;
	[tilespmem:$0x1E400] =	vst v63  }
0x16: {  	_ =	swait.ge [sflag:s11], $0x1400  }
0x17: {  	[sflag:s11] =	ssyncset.done $0x0  }
0x18: {  	[sflag:s11] =	ssyncadd.s32 $0xFFFFEC00  }
0x19: {  	[tilespmem:s12], [sflag:$0x3] =	stream.linear.gather [hbm4b:s8+s3], $0x1400, $0x38;
	[tilespmem:$0x1E400] =	vst v63  }
0x1a: {  	_ =	swait.ge [sflag:s11], $0x1400  }
0x1b: {  	[sflag:s11] =	ssyncset.done $0x0  }
0x1c: {  	s22 =	simm.s32 $0x1400;
	[sflag:s11] =	ssyncadd.s32 $0xFFFFEC00  }
0x1d: {  	[tilespmem:s14], [sflag:$0x1] =	stream.indirect.gather [hbm4b:s4+s13], $0x80, s22, s13, $0xb8;
	[tilespmem:$0x1E400] =	vst v63  }
0x1e: {  	s29 =	simm.s32 $0x1480  }
0x1f: {  	[tilespmem:s15], [sflag:$0x2] =	stream.indirect.gather [hbm4b:s4+s13], $0x80, s29, s13, $0xb8;
	[tilespmem:$0x1E400] =	vst v63  }
0x20: {  	_ =	swait.ge [sflag:s16], $0x4000  }
0x21: {  	[sflag:s16] =	ssyncset.done $0x0  }
0x22: {  	s30 =	simm.s32 $0x0;
	[sflag:s16] =	ssyncadd.s32 $0xFFFFC000  }
0x23: {  	[spmem:s2] =	stream.indirect.scatter.add.f32 [tilespmem:s14], [sflag:$0x3], $0x80, s30, s13, $0xb8;
	[tilespmem:$0x1E400] =	vst v63  }
0x24: {  	_ =	swait.ge [sflag:s11], $0x4000  }
0x25: {  	[sflag:s11] =	ssyncset.done $0x0  }
0x26: {  	[sflag:s11] =	ssyncadd.s32 $0xFFFFC000  }
0x27: {  	_ =	swait.ge [sflag:s17], $0x4000  }
0x28: {  	[sflag:s17] =	ssyncset.done $0x0  }
0x29: {  	s31 =	simm.s32 $0x80;
	[sflag:s17] =	ssyncadd.s32 $0xFFFFC000  }
0x2a: {  	[spmem:s2] =	stream.indirect.scatter.add.f32 [tilespmem:s15], [sflag:$0x3], $0x80, s31, s13, $0xb8;
	[tilespmem:$0x1E400] =	vst v63  }
0x2b: {  	_ =	swait.ge [sflag:s11], $0x4000  }
0x2c: {  	s23 =	simm.s32 $0x800;
	s22 =	simm.s32 $0x100;
	[sflag:s11] =	ssyncset.done $0x0  }
.LBB2_2:
0x2d: {  	s24 =	sadd.s32 $0x1400, s22  }
0x2e: {  	[sflag:s11] =	ssyncadd.s32 $0xFFFFC000;
	s25 =	smov.u32 s23;
	s26 =	sadd.s32 $0x400, s23  }
0x2f: {  	[tilespmem:s14], [sflag:$0x1] =	stream.indirect.gather [hbm4b:s4+s13], $0x80, s24, s13, $0xb8;
	[tilespmem:$0x1E400] =	vst v63  }
0x30: {  	p0 =	sne.s32 s23, $0x4C00;
	s23 =	sadd.s32 $0x1480, s22  }
0x31: {  	[tilespmem:s15], [sflag:$0x2] =	stream.indirect.gather [hbm4b:s4+s13], $0x80, s23, s13, $0xb8;
	[tilespmem:$0x1E400] =	vst v63  }
0x32: {  	_ =	swait.ge [sflag:s16], $0x4000  }
0x33: {  	[sflag:s16] =	ssyncset.done $0x0  }
0x34: {  	[sflag:s16] =	ssyncadd.s32 $0xFFFFC000  }
0x35: {  	[spmem:s2] =	stream.indirect.scatter.add.f32 [tilespmem:s14], [sflag:$0x3], $0x80, s22, s13, $0xb8;
	[tilespmem:$0x1E400] =	vst v63  }
0x36: {  	_ =	swait.ge [sflag:s11], $0x4000  }
0x37: {  	[sflag:s11] =	ssyncset.done $0x0  }
0x38: {  	[sflag:s11] =	ssyncadd.s32 $0xFFFFC000  }
0x39: {  	_ =	swait.ge [sflag:s17], $0x4000  }
.Ltmp0:
0x3a: {  	[sflag:s17] =	ssyncset.done $0x0;
	(pc) =	sbr.rel @p0 .LBB2_2-.Ltmp0, $4  }
0x3b: {  	s22 =	sadd.s32 $0x80, s22;
	[sflag:s17] =	ssyncadd.s32 $0xFFFFC000  }
0x3c: {  	[spmem:s2] =	stream.indirect.scatter.add.f32 [tilespmem:s15], [sflag:$0x3], $0x80, s22, s13, $0xb8;
	[tilespmem:$0x1E400] =	vst v63  }
0x3d: {  	_ =	swait.ge [sflag:s11], $0x4000  }
0x3e: {  	s23 =	smov.u32 s26;
	s22 =	sshra.s32 s25, $0x2;
	[sflag:s11] =	ssyncset.done $0x0  }
0x3f: {  	s23 =	sadd.s32 $0x1400, s22;
	[sflag:s11] =	ssyncadd.s32 $0xFFFFC000  }
0x40: {  	[tilespmem:s14], [sflag:$0x1] =	stream.indirect.gather [hbm4b:s4+s13], $0x80, s23, s13, $0xb8;
	[tilespmem:$0x1E400] =	vst v63  }
0x41: {  	s24 =	sadd.s32 $0x1480, s22  }
0x42: {  	[tilespmem:s15], [sflag:$0x2] =	stream.indirect.gather [hbm4b:s4+s13], $0x80, s24, s13, $0xb8;
	[tilespmem:$0x1E400] =	vst v63  }
0x43: {  	_ =	swait.ge [sflag:s16], $0x4000  }
0x44: {  	[sflag:s16] =	ssyncset.done $0x0  }
0x45: {  	[sflag:s16] =	ssyncadd.s32 $0xFFFFC000  }
0x46: {  	[spmem:s2] =	stream.indirect.scatter.add.f32 [tilespmem:s14], [sflag:$0x3], $0x80, s22, s13, $0xb8;
	[tilespmem:$0x1E400] =	vst v63  }
0x47: {  	_ =	swait.ge [sflag:s11], $0x4000  }
0x48: {  	[sflag:s11] =	ssyncset.done $0x0  }
0x49: {  	[sflag:s11] =	ssyncadd.s32 $0xFFFFC000  }
0x4a: {  	_ =	swait.ge [sflag:s17], $0x4000  }
0x4b: {  	[sflag:s17] =	ssyncset.done $0x0  }
0x4c: {  	s25 =	sadd.s32 $0x80, s22;
	[sflag:s17] =	ssyncadd.s32 $0xFFFFC000  }
0x4d: {  	[spmem:s2] =	stream.indirect.scatter.add.f32 [tilespmem:s15], [sflag:$0x3], $0x80, s25, s13, $0xb8;
	[tilespmem:$0x1E400] =	vst v63  }
0x4e: {  	_ =	swait.ge [sflag:s11], $0x4000  }
0x4f: {  	[sflag:s11] =	ssyncset.done $0x0  }
0x50: {  	s26 =	simm.s32 $0x0;
	[sflag:s11] =	ssyncadd.s32 $0xFFFFC000  }
0x51: {  	[tilespmem:s26], [sflag:$0x3] =	stream.linear.gather [hbm4b:s18+s26], $0x1400, $0x38;
	[tilespmem:$0x1E400] =	vst v63  }
0x52: {  	_ =	swait.ge [sflag:s11], $0x1400  }
0x53: {  	[sflag:s11] =	ssyncset.done $0x0  }
0x54: {  	[sflag:s11] =	ssyncadd.s32 $0xFFFFEC00  }
0x55: {  	[tilespmem:s12], [sflag:$0x3] =	stream.linear.gather [hbm4b:s19+s26], $0x1400, $0x38;
	[tilespmem:$0x1E400] =	vst v63  }
0x56: {  	_ =	swait.ge [sflag:s11], $0x1400  }
0x57: {  	[sflag:s11] =	ssyncset.done $0x0  }
0x58: {  	s28 =	simm.s32 $0x1400;
	[sflag:s11] =	ssyncadd.s32 $0xFFFFEC00  }
0x59: {  	[tilespmem:s14], [sflag:$0x1] =	stream.indirect.gather [hbm4b:s4+s13], $0x80, s28, s13, $0xb8;
	[tilespmem:$0x1E400] =	vst v63  }
0x5a: {  	s29 =	simm.s32 $0x1480  }
0x5b: {  	[tilespmem:s15], [sflag:$0x2] =	stream.indirect.gather [hbm4b:s4+s13], $0x80, s29, s13, $0xb8;
	[tilespmem:$0x1E400] =	vst v63  }
0x5c: {  	_ =	swait.ge [sflag:s16], $0x4000  }
0x5d: {  	[sflag:s16] =	ssyncset.done $0x0  }
0x5e: {  	s30 =	simm.s32 $0x0;
	[sflag:s16] =	ssyncadd.s32 $0xFFFFC000  }
0x5f: {  	[spmem:s2] =	stream.indirect.scatter.add.f32 [tilespmem:s14], [sflag:$0x3], $0x80, s30, s13, $0xb8;
	[tilespmem:$0x1E400] =	vst v63  }
0x60: {  	_ =	swait.ge [sflag:s11], $0x4000  }
0x61: {  	[sflag:s11] =	ssyncset.done $0x0  }
0x62: {  	[sflag:s11] =	ssyncadd.s32 $0xFFFFC000  }
0x63: {  	_ =	swait.ge [sflag:s17], $0x4000  }
0x64: {  	[sflag:s17] =	ssyncset.done $0x0  }
0x65: {  	s31 =	simm.s32 $0x80;
	[sflag:s17] =	ssyncadd.s32 $0xFFFFC000  }
0x66: {  	[spmem:s2] =	stream.indirect.scatter.add.f32 [tilespmem:s15], [sflag:$0x3], $0x80, s31, s13, $0xb8;
	[tilespmem:$0x1E400] =	vst v63  }
0x67: {  	_ =	swait.ge [sflag:s11], $0x4000  }
0x68: {  	s23 =	simm.s32 $0x800;
	s22 =	simm.s32 $0x100;
	[sflag:s11] =	ssyncset.done $0x0  }
.LBB2_4:
0x69: {  	s24 =	sadd.s32 $0x1400, s22  }
0x6a: {  	[sflag:s11] =	ssyncadd.s32 $0xFFFFC000;
	s25 =	smov.u32 s23;
	s26 =	sadd.s32 $0x400, s23  }
0x6b: {  	[tilespmem:s14], [sflag:$0x1] =	stream.indirect.gather [hbm4b:s4+s13], $0x80, s24, s13, $0xb8;
	[tilespmem:$0x1E400] =	vst v63  }
0x6c: {  	p0 =	sne.s32 s23, $0x4C00;
	s23 =	sadd.s32 $0x1480, s22  }
0x6d: {  	[tilespmem:s15], [sflag:$0x2] =	stream.indirect.gather [hbm4b:s4+s13], $0x80, s23, s13, $0xb8;
	[tilespmem:$0x1E400] =	vst v63  }
0x6e: {  	_ =	swait.ge [sflag:s16], $0x4000  }
0x6f: {  	[sflag:s16] =	ssyncset.done $0x0  }
0x70: {  	[sflag:s16] =	ssyncadd.s32 $0xFFFFC000  }
0x71: {  	[spmem:s2] =	stream.indirect.scatter.add.f32 [tilespmem:s14], [sflag:$0x3], $0x80, s22, s13, $0xb8;
	[tilespmem:$0x1E400] =	vst v63  }
0x72: {  	_ =	swait.ge [sflag:s11], $0x4000  }
0x73: {  	[sflag:s11] =	ssyncset.done $0x0  }
0x74: {  	[sflag:s11] =	ssyncadd.s32 $0xFFFFC000  }
0x75: {  	_ =	swait.ge [sflag:s17], $0x4000  }
.Ltmp1:
0x76: {  	[sflag:s17] =	ssyncset.done $0x0;
	(pc) =	sbr.rel @p0 .LBB2_4-.Ltmp1, $4  }
0x77: {  	s22 =	sadd.s32 $0x80, s22;
	[sflag:s17] =	ssyncadd.s32 $0xFFFFC000  }
0x78: {  	[spmem:s2] =	stream.indirect.scatter.add.f32 [tilespmem:s15], [sflag:$0x3], $0x80, s22, s13, $0xb8;
	[tilespmem:$0x1E400] =	vst v63  }
0x79: {  	_ =	swait.ge [sflag:s11], $0x4000  }
0x7a: {  	s23 =	smov.u32 s26;
	s22 =	sshra.s32 s25, $0x2;
	[sflag:s11] =	ssyncset.done $0x0  }
0x7b: {  	s23 =	sadd.s32 $0x1400, s22;
	[sflag:s11] =	ssyncadd.s32 $0xFFFFC000  }
0x7c: {  	[tilespmem:s14], [sflag:$0x1] =	stream.indirect.gather [hbm4b:s4+s13], $0x80, s23, s13, $0xb8;
	[tilespmem:$0x1E400] =	vst v63  }
0x7d: {  	s30 =	sadd.s32 $0x1480, s22  }
0x7e: {  	[tilespmem:s15], [sflag:$0x2] =	stream.indirect.gather [hbm4b:s4+s13], $0x80, s30, s13, $0xb8;
	[tilespmem:$0x1E400] =	vst v63  }
0x7f: {  	_ =	swait.ge [sflag:s16], $0x4000  }
0x80: {  	[sflag:s16] =	ssyncset.done $0x0  }
0x81: {  	[sflag:s16] =	ssyncadd.s32 $0xFFFFC000  }
0x82: {  	[spmem:s2] =	stream.indirect.scatter.add.f32 [tilespmem:s14], [sflag:$0x3], $0x80, s22, s13, $0xb8;
	[tilespmem:$0x1E400] =	vst v63  }
0x83: {  	_ =	swait.ge [sflag:s11], $0x4000  }
0x84: {  	[sflag:s11] =	ssyncset.done $0x0  }
0x85: {  	[sflag:s11] =	ssyncadd.s32 $0xFFFFC000  }
0x86: {  	_ =	swait.ge [sflag:s17], $0x4000  }
0x87: {  	[sflag:s17] =	ssyncset.done $0x0  }
0x88: {  	s31 =	sadd.s32 $0x80, s22;
	[sflag:s17] =	ssyncadd.s32 $0xFFFFC000  }
0x89: {  	[spmem:s2] =	stream.indirect.scatter.add.f32 [tilespmem:s15], [sflag:$0x3], $0x80, s31, s13, $0xb8;
	[tilespmem:$0x1E400] =	vst v63  }
0x8a: {  	_ =	swait.ge [sflag:s11], $0x4000  }
0x8b: {  	s21 =	sadd.s32 $0x1, s21;
	[sflag:s11] =	ssyncset.done $0x0  }
0x8c: {  	p0 =	sne.s32 s21, s9;
	[sflag:s11] =	ssyncadd.s32 $0xFFFFC000  }
.Ltmp2:
0x8d: {  	[bflag:$0x0] =	sbarrier.arrive $0xFFFF;
	(pc) =	sbr.rel @p0 .LBB2_1-.Ltmp2, $4  }
0x8e: {  	[hbm:s20], [sflag:s6] =	dma.local [spmem:s10], $0x2780  }
0x8f: {  	_ =	swait.ge [sflag:s11], $0x2780  }
0x90: {  	[sflag:s11] =	ssyncset.done $0x0  }
0x91: {  	[sflag:s11] =	ssyncadd.s32 $0xFFFFD880  }
0x92: {  	_ =	sfence.sel $0x180000  }
0x93: {  	[bflag:$0x0] =	sbarrier.arrive $0xFFFF  }
0x94: {  	p0 =	sne.s32 s0, $0x0;
	_ =	strace $0x9000004A  }
0x95: {  	s0 =	sadd.s32 @!p0 $0x100000, s1;
	[bflag:$0x2] =	sbarrier.arrive $0xFFFF  }
0x96: {  	[sflag:s0] =	ssyncadd.tile.s32 @!p0 $0x1;
	_ =	shalt  }
.Lfunc_end2:
_tile_overlayer_lowered:
.L_overlay_start_2:
0x97: {  	(tag) =	ssettag $0x2  }
0x98: {  	s0 =	rddreg [dreg:$0x0];
	s2 =	stileid.u32  }
0x99: {  	s1 =	rddreg [dreg:$0x1];
	p0 =	sne.s32 s2, $0x0  }
0x9a: {  	s3 =	rddreg [dreg:$0x2];
	[bflag:$0x3] =	sbarrier.arrive $0xFFFF;
	s2 =	simm.s32 @!p0 $0x1C03  }
0x9b: {  	[timem:s3], [sflag:s2] =	dma.local @!p0 [hbm:s0], s1  }
0x9c: {  	s0 =	simm.s32 @!p0 $0x3  }
0x9d: {  	_ =	swait.ge @!p0 [sflag:s0], s1  }
0x9e: {  	s1 =	ssub.s32 @!p0 $0x0, s1;
	[sflag:s0] =	ssyncset.done @!p0 $0x0  }
0x9f: {  	[sflag:s0] =	ssyncadd.s32 @!p0 s1  }
0xa0: {  	[bflag:$0x3] =	sbarrier.arrive $0xFFFF  }
0xa1: {  	_ =	shalt  }

// kernel: kernel.14.cloned.1.call-start
scs
__scs_entry_jumppad:
0x0: {  	(pc) =	sbr.rel $0x88, $3  }
0x1: {  	(tag) =	ssettag $0x0;
	lr =	simm.s32 $0x1  }
0x2: {  	[smem:$0x3F99] =	sst lr;
	_ =	strace $0xD0000000  }
0x3: {  	_ = 	snop  }
0x4: {  	_ = 	snop  }
0x5: {  	_ = 	snop  }
0x6: {  	_ = 	snop  }
0x7: {  	_ = 	snop  }
__scs_overlays_trampoline_lowered:
0x8: {  	[smem:$0x3FA8] =	sst s0  }
0x9: {  	[smem:$0x3FA9] =	sst s1  }
0xa: {  	[smem:$0x3FAA] =	sst s2  }
0xb: {  	[smem:$0x3FAB] =	sst s3  }
0xc: {  	[smem:$0x3FAC] =	sst s4  }
0xd: {  	[smem:$0x3FAD] =	sst s5  }
0xe: {  	[smem:$0x3FAE] =	sst s6  }
0xf: {  	[smem:$0x3FAF] =	sst s7  }
0x10: {  	[smem:$0x3FB0] =	sst s8  }
0x11: {  	[smem:$0x3FB1] =	sst s9;
	s0 =	simm.s32 @!p0 $0x0  }
0x12: {  	s1 =	sld [smem:$0x3F97];
	s0 =	simm.s32 @p0 $0x1  }
0x13: {  	[smem:$0x3FB2] =	sst s0;
	s0 =	simm.s32 @!p1 $0x0  }
0x14: {  	s2 =	sld [smem:$0x3F96];
	s0 =	simm.s32 @p1 $0x1  }
0x15: {  	[smem:$0x3FB3] =	sst s0;
	s0 =	simm.s32 @!p2 $0x0  }
0x16: {  	s3 =	sld [smem:$0x3FDB];
	s0 =	simm.s32 @p2 $0x1  }
0x17: {  	s4 =	simm.s32 $0x1BF5;
	[smem:$0x3FB5] =	sst s0  }
0x18: {  	s0 =	sld [smem:$0x3F98];
	_ =	swait.ge [sflag:s4], $0x0  }
0x19: {  	s7 =	sld [smem:$0x3F99]  }
0x1a: {  	s8 =	sadd.s32 $0xFFFFE003, lr  }
0x1b: {  	s9 =	sadd.s32 $0xFFFFFEF7, lr;
	s5 =	simm.s32 $0xFFFFFFFF;
	p2 =	slt.u32 s8, $0xFFFFF086  }
0x1c: {  	p1 =	slt.u32 s9, $0xF7A;
	s5 =	simm.s32 @!p2 $0x0  }
0x1d: {  	s5 =	simm.s32 @p1 $0x1;
	p0 =	seq.s32 s7, s2  }
0x1e: {  	s7 =	smul.u32 @!p0 $0xF7A, s2;
	p2 =	seq.s32 @!p0 s5, $0x0  }
0x1f: {  	s9 =	smul.u32 $0xF7A, s1;
	s8 =	simm.s32 @!p0 $0x1BF5;
	p2 =	por !p2, p0  }
0x20: {  	[sflag:s8] =	ssyncset.s32 @!p0 $0xFFFFF086;
	s6 =	sadd.s32 @!p0 s3, s7;
	s7 =	simm.s32 @!p0 $0x108  }
0x21: {  	s3 =	sadd.s32 s3, s9;
	s6 =	sadd.s32 @!p0 $0x88, s6;
	s7 =	simm.s32 @p2 $0x1082  }
0x22: {  	[simem:s7], [sflag:s8] =	dma.local @!p0 [hbm:s6], $0xF7A  }
0x23: {  	s9 =	sor.u32 $0xD0000000, s2;
	s6 =	simm.s32 $0x108;
	_ =	swait.ge @!p0 [sflag:s8], $0x0  }
0x24: {  	s3 =	sadd.s32 $0x88, s3;
	s6 =	simm.s32 @!p1 $0x1082;
	[sflag:s4] =	ssyncset.s32 $0xFFFFF086  }
0x25: {  	[simem:s6], [sflag:s4] =	dma.local [hbm:s3], $0xF7A  }
0x26: {  	[smem:$0x3F99] =	sst s1;
	(tag) =	ssettag s2;
	_ =	strace s9  }
0x27: {  	s1 =	sld [smem:$0x3FA9]  }
0x28: {  	s2 =	sld [smem:$0x3FAA]  }
0x29: {  	s4 =	sld [smem:$0x3FAC]  }
0x2a: {  	p0 =	seq.s32 s5, $0x0;
	s5 =	sld [smem:$0x3FAD]  }
0x2b: {  	s6 =	sld [smem:$0x3FAE]  }
0x2c: {  	s7 =	sld [smem:$0x3FAF]  }
0x2d: {  	s3 =	simm.s32 $0x108;
	s8 =	sld [smem:$0x3FB0]  }
0x2e: {  	s3 =	simm.s32 @!p0 $0x1082;
	s9 =	sld [smem:$0x3FB1]  }
0x2f: {  	lr =	sadd.s32 s0, s3;
	s0 =	sld [smem:$0x3FA8]  }
0x30: {  	s3 =	sld [smem:$0x3FAB]  }
0x31: {  	[smem:$0x3FB4] =	sst s10  }
0x32: {  	s10 =	sld [smem:$0x3FB2];
	_ =	sdelay $0x3  }
0x33: {  	p0 =	seq.s32 s10, $0x1;
	s10 =	sld [smem:$0x3FB4];
	_ =	sdelay $0x3  }
0x34: {  	[smem:$0x3FB4] =	sst s10  }
0x35: {  	s10 =	sld [smem:$0x3FB3];
	_ =	sdelay $0x3  }
0x36: {  	p1 =	seq.s32 s10, $0x1;
	s10 =	sld [smem:$0x3FB4];
	_ =	sdelay $0x3  }
0x37: {  	[smem:$0x3FB4] =	sst s10  }
0x38: {  	s10 =	sld [smem:$0x3FB5]  }
0x39: {  	_ = 	snop;
	(pc) =	sbr.ind lr, $3  }
0x3a: {  	_ = 	snop  }
0x3b: {  	_ = 	snop  }
0x3c: {  	p2 =	seq.s32 s10, $0x1;
	s10 =	sld [smem:$0x3FB4]  }
0x3d: {  	_ =	shalt  }
0x3e: {  	_ =	shalt  }
0x3f: {  	_ =	shalt  }
0x40: {  	_ =	shalt  }
0x41: {  	_ =	shalt  }
0x42: {  	_ =	shalt  }
0x43: {  	_ =	shalt  }
0x44: {  	_ =	shalt  }
0x45: {  	_ =	shalt  }
0x46: {  	_ =	shalt  }
0x47: {  	_ =	shalt  }
0x48: {  	_ =	shalt  }
0x49: {  	_ =	shalt  }
0x4a: {  	_ =	shalt  }
0x4b: {  	_ =	shalt  }
0x4c: {  	_ =	shalt  }
0x4d: {  	_ =	shalt  }
0x4e: {  	_ =	shalt  }
0x4f: {  	_ =	shalt  }
0x50: {  	_ =	shalt  }
0x51: {  	_ =	shalt  }
0x52: {  	_ =	shalt  }
0x53: {  	_ =	shalt  }
0x54: {  	_ =	shalt  }
0x55: {  	_ =	shalt  }
0x56: {  	_ =	shalt  }
0x57: {  	_ =	shalt  }
0x58: {  	_ =	shalt  }
0x59: {  	_ =	shalt  }
0x5a: {  	_ =	shalt  }
0x5b: {  	_ =	shalt  }
0x5c: {  	_ =	shalt  }
0x5d: {  	_ =	shalt  }
0x5e: {  	_ =	shalt  }
0x5f: {  	_ =	shalt  }
0x60: {  	_ =	shalt  }
0x61: {  	_ =	shalt  }
0x62: {  	_ =	shalt  }
0x63: {  	_ =	shalt  }
0x64: {  	_ =	shalt  }
0x65: {  	_ =	shalt  }
0x66: {  	_ =	shalt  }
0x67: {  	_ =	shalt  }
0x68: {  	_ =	shalt  }
0x69: {  	_ =	shalt  }
0x6a: {  	_ =	shalt  }
0x6b: {  	_ =	shalt  }
0x6c: {  	_ =	shalt  }
0x6d: {  	_ =	shalt  }
0x6e: {  	_ =	shalt  }
0x6f: {  	_ =	shalt  }
0x70: {  	_ =	shalt  }
0x71: {  	_ =	shalt  }
0x72: {  	_ =	shalt  }
0x73: {  	_ =	shalt  }
0x74: {  	_ =	shalt  }
0x75: {  	_ =	shalt  }
0x76: {  	_ =	shalt  }
0x77: {  	_ =	shalt  }
0x78: {  	_ =	shalt  }
0x79: {  	_ =	shalt  }
0x7a: {  	_ =	shalt  }
0x7b: {  	_ =	shalt  }
0x7c: {  	_ =	shalt  }
0x7d: {  	_ =	shalt  }
0x7e: {  	_ =	shalt  }
0x7f: {  	_ =	shalt  }
0x80: {  	_ =	shalt  }
0x81: {  	_ =	shalt  }
0x82: {  	_ =	shalt  }
0x83: {  	_ =	shalt  }
0x84: {  	_ =	shalt  }
0x85: {  	_ =	shalt  }
0x86: {  	_ =	shalt  }
0x87: {  	_ =	shalt  }
.Lfunc_end0:
.L_simem_size_0:
called_computation.2_lowered:
.L_overlay_start_0:
0x88: {  	s2 =	sld [smem:$0x3FD9]  }
0x89: {  	s3 =	sld [smem:$0x3FFE];
	_ =	sdelay $0x1  }
0x8a: {  	s1 =	srdreg.scid  }
0x8b: {  	s0 =	sand.u32 $0x1, s1  }
0x8c: {  	s16 =	sshll.u32 s0, $0xA;
	s2 =	sadd.s32 s3, s2  }
0x8d: {  	s2 =	sadd.s32 s2, s16  }
0x8e: {  	[smem:$0x3FC0] =	sst s2  }
0x8f: {  	_ = 	snop  }
0x90: {  	(tm) =	ssettm $0x1  }
0x91: {  	s17 =	sld [smem:$0x3FFB];
	_ =	sdelay $0x3  }
0x92: {  	_ =	strace s17  }
0x93: {  	s2 =	sld [smem:$0x3FFC];
	_ =	sdelay $0x3  }
0x94: {  	_ =	strace s2  }
0x95: {  	s2 =	sld [smem:$0x3FFD];
	_ =	sdelay $0x3  }
0x96: {  	_ =	strace s2  }
0x97: {  	_ =	strace $0x8FFFFFFF  }
0x98: {  	s18 =	sld [smem:$0x3FDB];
	_ =	sdelay $0x1  }
0x99: {  	s19 =	simm.s32 $_scs_section_size  }
0x9a: {  	s4 =	simm.s32 $_size__tile_overlayer_lowered;
	s5 =	simm.s32 $_tile_overlayer_lowered  }
0x9b: {  	s22 =	simm.s32 $0x1BFF;
	s21 =	sshll.u32 s5, $0x1;
	s2 =	sadd.s32 s19, s18  }
0x9c: {  	s6 =	simm.s32 $0x0;
	s20 =	sshll.u32 s4, $0x1;
	s4 =	sadd.s32 s21, s2  }
0x9d: {  	[timem:s6], [sflag:s22] =	dma.local [hbm:s4], s20  }
0x9e: {  	_ =	swait.ge [sflag:s22], s20  }
0x9f: {  	s3 =	ssub.s32 $0x0, s20;
	[sflag:s22] =	ssyncset.done $0x0  }
0xa0: {  	[sflag:s22] =	ssyncadd.s32 s3;
	_ =	sdelay $0x1  }
0xa1: {  	s23 =	simm.s32 $0x1B8B  }
0xa2: {  	_ =	swait.ge [sflag:s23], $0x1  }
0xa3: {  	[sflag:s23] =	ssyncset.done $0x0  }
0xa4: {  	s25 =	simm.s32 $0x1B8E;
	s24 =	sld [smem:$0x3FFE];
	[sflag:s23] =	ssyncadd.s32 $0xFFFFFFFF  }
0xa5: {  	s26 =	simm.s32 $execute0_lowered;
	[smem:$0x3FD2] =	sst s25  }
0xa6: {  	s4 =	sshll.u32 s26, $0x1;
	_ =	strace $0x8000004C;
	[dreg:$0x1] =	wrdreg $0xFFFFFFFF  }
0xa7: {  	s28 =	simm.s32 $_size_execute0_lowered;
	s2 =	sadd.s32 s2, s4;
	[dreg:$0x0] =	wrdreg $0x0  }
0xa8: {  	s4 =	sshll.u32 s28, $0x1;
	[dreg:$0x2] =	wrdreg s2  }
0xa9: {  	[dreg:$0x3] =	wrdreg s4  }
0xaa: {  	[dreg:$0x4] =	wrdreg $0xC0  }
0xab: {  	_ =	task [dreg:s6], $0x5FFFF  }
0xac: {  	[dreg:$0x1] =	wrdreg $0xFFFFFFFF  }
0xad: {  	[dreg:$0x0] =	wrdreg $0x60  }
0xae: {  	[dreg:$0x2] =	wrdreg s24  }
0xaf: {  	[dreg:$0x3] =	wrdreg $0xA8000  }
0xb0: {  	[dreg:$0x4] =	wrdreg $0x9  }
0xb1: {  	_ =	task.clear_ibuf [dreg:s6], $0x5FFFF;
	_ =	strace $0x9000004C  }
0xb2: {  	s29 =	simm.s32 $0x9;
	_ =	strace $0x8000004E  }
0xb3: {  	_ =	swait.ge [sflag:s29], $0x1  }
0xb4: {  	[sflag:s29] =	ssyncadd.s32 $0xFFFFFFFF  }
0xb5: {  	_ =	strace $0x9000004E  }
0xb6: {  	_ =	sfence  }
0xb7: {  	s30 =	sld [smem:$0x0];
	_ =	sdelay $0x2  }
0xb8: {  	s31 =	sshll.u32 s1, $0xD;
	s1 =	sshrl.u32 s1, $0x2  }
0xb9: {  	s3 =	sand.u32 $0x4000, s31;
	s1 =	sadd.s32 s1, s30  }
0xba: {  	s0 =	sor.u32 s3, s0;
	s1 =	sshll.u32 s1, $0x11  }
0xbb: {  	s0 =	sor.u32 s1, s0  }
0xbc: {  	s0 =	sadd.s32 $0x8F2B, s0  }
0xbd: {  	[sflag:s0] =	ssyncadd.remote.s32 $0x1  }
0xbe: {  	_ =	sfence.sel $0xFFFF  }
0xbf: {  	[dreg:$0x0] =	wrdreg $0xFFFFFFFF;
	(pc) =	sbr.abs _section_cstart, $3  }
0xc0: {  	[dreg:$0x1] =	wrdreg $0xFFFFFFFF  }
0xc1: {  	_ =	task.clear_ibuf [dreg:s6], $0x2FFFF;
	_ =	strace $0x9FFFFFFF  }
0xc2: {  	(tm) =	ssettm $0x7FFFFFFF  }
0xc3: {  	_ =	shalt  }
tec
execute0_lowered:
.L_overlay_start_1:
0x0: {  	(tag) =	ssettag $0x1  }
0x1: {  	s6 =	rddreg [dreg:$0x0]  }
0x2: {  	s0 =	srdreg.scid;
	s2 =	rddreg [dreg:$0x1];
	s3 =	simm.s32 $0x0  }
0x3: {  	s13 =	simm.s32 $0x80;
	s14 =	simm.s32 $0x2800;
	s15 =	simm.s32 $0x6800  }
0x4: {  	s16 =	simm.s32 $0x1;
	s5 =	sand.u32 $0x1, s0;
	s0 =	stileid.u32  }
0x5: {  	s17 =	simm.s32 $0x2;
	[smem:$0x7FF] =	sst s3;
	s20 =	smul.u32 $0x2780, s0  }
0x6: {  	s4 =	sadd.s32 $0x3E000, s6;
	s1 =	sshll.u32 s5, $0x4;
	s8 =	smul.u32 $0x27800, s5  }
0x7: {  	s9 =	smul.u32 $0x4F000, s0;
	s5 =	ssub.s32 $0x2, s5;
	s1 =	sor.u32 s0, s1  }
0x8: {  	s31 =	sshll.u32 s0, $0x6;
	s28 =	sshrl.u32 s5, $0x1;
	s7 =	smul.u32 $0x500, s1  }
0x9: {  	s1 =	rddreg [dreg:$0x2];
	_ =	strace $0x8000004D;
	s26 =	sadd.s32 s20, s6  }
0xa: {  	s11 =	sadd.s32 s8, s6;
	s29 =	sshrl.u32 s9, $0x2;
	s30 =	ssub.s32 s5, s28  }
0xb: {  	s12 =	sadd.s32 s29, s2;
	s5 =	sadd.s32 $0x16800, s26;
	s21 =	sadd.s32 $0x65200, s11  }
0xc: {  	s9 =	smax.u32 s30, $0x1;
	s11 =	simm.s32 $0x3;
	s10 =	sadd.s32 s7, s6  }
0xd: {  	s6 =	sor.u32 $0x1C03, s31;
	s20 =	sadd.s32 s20, s21;
	s21 =	simm.s32 $0x0  }
0xe: {  	s7 =	sadd.s32 $0xC800, s10;
	s8 =	sadd.s32 $0x2800, s10;
	s10 =	sshrl.u32 s12, $0x3  }
0xf: {  	s12 =	simm.s32 $0x1400;
	s18 =	sadd.s32 $0x280, s7;
	s19 =	sadd.s32 $0x280, s8  }
.LBB2_1:
0x10: {  	[spmem:s10], [sflag:s6] =	dma.local [hbm:s5], $0x2780  }
0x11: {  	_ =	swait.ge [sflag:s11], $0x2780  }
0x12: {  	[sflag:s11] =	ssyncset.done $0x0  }
0x13: {  	[sflag:s11] =	ssyncadd.s32 $0xFFFFD880  }
0x14: {  	[bflag:$0x0] =	sbarrier.arrive $0xFFFF  }
0x15: {  	[tilespmem:s3], [sflag:$0x3] =	stream.linear.gather [hbm4b:s7+s3], $0x1400, $0x38;
	[tilespmem:$0x1E400] =	vst v63  }
0x16: {  	_ =	swait.ge [sflag:s11], $0x1400  }
0x17: {  	[sflag:s11] =	ssyncset.done $0x0  }
0x18: {  	[sflag:s11] =	ssyncadd.s32 $0xFFFFEC00  }
0x19: {  	[tilespmem:s12], [sflag:$0x3] =	stream.linear.gather [hbm4b:s8+s3], $0x1400, $0x38;
	[tilespmem:$0x1E400] =	vst v63  }
0x1a: {  	_ =	swait.ge [sflag:s11], $0x1400  }
0x1b: {  	[sflag:s11] =	ssyncset.done $0x0  }
0x1c: {  	s22 =	simm.s32 $0x1400;
	[sflag:s11] =	ssyncadd.s32 $0xFFFFEC00  }
0x1d: {  	[tilespmem:s14], [sflag:$0x1] =	stream.indirect.gather [hbm4b:s4+s13], $0x80, s22, s13, $0xb8;
	[tilespmem:$0x1E400] =	vst v63  }
0x1e: {  	s29 =	simm.s32 $0x1480  }
0x1f: {  	[tilespmem:s15], [sflag:$0x2] =	stream.indirect.gather [hbm4b:s4+s13], $0x80, s29, s13, $0xb8;
	[tilespmem:$0x1E400] =	vst v63  }
0x20: {  	_ =	swait.ge [sflag:s16], $0x4000  }
0x21: {  	[sflag:s16] =	ssyncset.done $0x0  }
0x22: {  	s30 =	simm.s32 $0x0;
	[sflag:s16] =	ssyncadd.s32 $0xFFFFC000  }
0x23: {  	[spmem:s2] =	stream.indirect.scatter.add.f32 [tilespmem:s14], [sflag:$0x3], $0x80, s30, s13, $0xb8;
	[tilespmem:$0x1E400] =	vst v63  }
0x24: {  	_ =	swait.ge [sflag:s11], $0x4000  }
0x25: {  	[sflag:s11] =	ssyncset.done $0x0  }
0x26: {  	[sflag:s11] =	ssyncadd.s32 $0xFFFFC000  }
0x27: {  	_ =	swait.ge [sflag:s17], $0x4000  }
0x28: {  	[sflag:s17] =	ssyncset.done $0x0  }
0x29: {  	s31 =	simm.s32 $0x80;
	[sflag:s17] =	ssyncadd.s32 $0xFFFFC000  }
0x2a: {  	[spmem:s2] =	stream.indirect.scatter.add.f32 [tilespmem:s15], [sflag:$0x3], $0x80, s31, s13, $0xb8;
	[tilespmem:$0x1E400] =	vst v63  }
0x2b: {  	_ =	swait.ge [sflag:s11], $0x4000  }
0x2c: {  	s23 =	simm.s32 $0x800;
	s22 =	simm.s32 $0x100;
	[sflag:s11] =	ssyncset.done $0x0  }
.LBB2_2:
0x2d: {  	s24 =	sadd.s32 $0x1400, s22  }
0x2e: {  	[sflag:s11] =	ssyncadd.s32 $0xFFFFC000;
	s25 =	smov.u32 s23;
	s26 =	sadd.s32 $0x400, s23  }
0x2f: {  	[tilespmem:s14], [sflag:$0x1] =	stream.indirect.gather [hbm4b:s4+s13], $0x80, s24, s13, $0xb8;
	[tilespmem:$0x1E400] =	vst v63  }
0x30: {  	p0 =	sne.s32 s23, $0x4C00;
	s23 =	sadd.s32 $0x1480, s22  }
0x31: {  	[tilespmem:s15], [sflag:$0x2] =	stream.indirect.gather [hbm4b:s4+s13], $0x80, s23, s13, $0xb8;
	[tilespmem:$0x1E400] =	vst v63  }
0x32: {  	_ =	swait.ge [sflag:s16], $0x4000  }
0x33: {  	[sflag:s16] =	ssyncset.done $0x0  }
0x34: {  	[sflag:s16] =	ssyncadd.s32 $0xFFFFC000  }
0x35: {  	[spmem:s2] =	stream.indirect.scatter.add.f32 [tilespmem:s14], [sflag:$0x3], $0x80, s22, s13, $0xb8;
	[tilespmem:$0x1E400] =	vst v63  }
0x36: {  	_ =	swait.ge [sflag:s11], $0x4000  }
0x37: {  	[sflag:s11] =	ssyncset.done $0x0  }
0x38: {  	[sflag:s11] =	ssyncadd.s32 $0xFFFFC000  }
0x39: {  	_ =	swait.ge [sflag:s17], $0x4000  }
.Ltmp0:
0x3a: {  	[sflag:s17] =	ssyncset.done $0x0;
	(pc) =	sbr.rel @p0 .LBB2_2-.Ltmp0, $4  }
0x3b: {  	s22 =	sadd.s32 $0x80, s22;
	[sflag:s17] =	ssyncadd.s32 $0xFFFFC000  }
0x3c: {  	[spmem:s2] =	stream.indirect.scatter.add.f32 [tilespmem:s15], [sflag:$0x3], $0x80, s22, s13, $0xb8;
	[tilespmem:$0x1E400] =	vst v63  }
0x3d: {  	_ =	swait.ge [sflag:s11], $0x4000  }
0x3e: {  	s23 =	smov.u32 s26;
	s22 =	sshra.s32 s25, $0x2;
	[sflag:s11] =	ssyncset.done $0x0  }
0x3f: {  	s23 =	sadd.s32 $0x1400, s22;
	[sflag:s11] =	ssyncadd.s32 $0xFFFFC000  }
0x40: {  	[tilespmem:s14], [sflag:$0x1] =	stream.indirect.gather [hbm4b:s4+s13], $0x80, s23, s13, $0xb8;
	[tilespmem:$0x1E400] =	vst v63  }
0x41: {  	s24 =	sadd.s32 $0x1480, s22  }
0x42: {  	[tilespmem:s15], [sflag:$0x2] =	stream.indirect.gather [hbm4b:s4+s13], $0x80, s24, s13, $0xb8;
	[tilespmem:$0x1E400] =	vst v63  }
0x43: {  	_ =	swait.ge [sflag:s16], $0x4000  }
0x44: {  	[sflag:s16] =	ssyncset.done $0x0  }
0x45: {  	[sflag:s16] =	ssyncadd.s32 $0xFFFFC000  }
0x46: {  	[spmem:s2] =	stream.indirect.scatter.add.f32 [tilespmem:s14], [sflag:$0x3], $0x80, s22, s13, $0xb8;
	[tilespmem:$0x1E400] =	vst v63  }
0x47: {  	_ =	swait.ge [sflag:s11], $0x4000  }
0x48: {  	[sflag:s11] =	ssyncset.done $0x0  }
0x49: {  	[sflag:s11] =	ssyncadd.s32 $0xFFFFC000  }
0x4a: {  	_ =	swait.ge [sflag:s17], $0x4000  }
0x4b: {  	[sflag:s17] =	ssyncset.done $0x0  }
0x4c: {  	s25 =	sadd.s32 $0x80, s22;
	[sflag:s17] =	ssyncadd.s32 $0xFFFFC000  }
0x4d: {  	[spmem:s2] =	stream.indirect.scatter.add.f32 [tilespmem:s15], [sflag:$0x3], $0x80, s25, s13, $0xb8;
	[tilespmem:$0x1E400] =	vst v63  }
0x4e: {  	_ =	swait.ge [sflag:s11], $0x4000  }
0x4f: {  	[sflag:s11] =	ssyncset.done $0x0  }
0x50: {  	s26 =	simm.s32 $0x0;
	[sflag:s11] =	ssyncadd.s32 $0xFFFFC000  }
0x51: {  	[tilespmem:s26], [sflag:$0x3] =	stream.linear.gather [hbm4b:s18+s26], $0x1400, $0x38;
	[tilespmem:$0x1E400] =	vst v63  }
0x52: {  	_ =	swait.ge [sflag:s11], $0x1400  }
0x53: {  	[sflag:s11] =	ssyncset.done $0x0  }
0x54: {  	[sflag:s11] =	ssyncadd.s32 $0xFFFFEC00  }
0x55: {  	[tilespmem:s12], [sflag:$0x3] =	stream.linear.gather [hbm4b:s19+s26], $0x1400, $0x38;
	[tilespmem:$0x1E400] =	vst v63  }
0x56: {  	_ =	swait.ge [sflag:s11], $0x1400  }
0x57: {  	[sflag:s11] =	ssyncset.done $0x0  }
0x58: {  	s28 =	simm.s32 $0x1400;
	[sflag:s11] =	ssyncadd.s32 $0xFFFFEC00  }
0x59: {  	[tilespmem:s14], [sflag:$0x1] =	stream.indirect.gather [hbm4b:s4+s13], $0x80, s28, s13, $0xb8;
	[tilespmem:$0x1E400] =	vst v63  }
0x5a: {  	s29 =	simm.s32 $0x1480  }
0x5b: {  	[tilespmem:s15], [sflag:$0x2] =	stream.indirect.gather [hbm4b:s4+s13], $0x80, s29, s13, $0xb8;
	[tilespmem:$0x1E400] =	vst v63  }
0x5c: {  	_ =	swait.ge [sflag:s16], $0x4000  }
0x5d: {  	[sflag:s16] =	ssyncset.done $0x0  }
0x5e: {  	s30 =	simm.s32 $0x0;
	[sflag:s16] =	ssyncadd.s32 $0xFFFFC000  }
0x5f: {  	[spmem:s2] =	stream.indirect.scatter.add.f32 [tilespmem:s14], [sflag:$0x3], $0x80, s30, s13, $0xb8;
	[tilespmem:$0x1E400] =	vst v63  }
0x60: {  	_ =	swait.ge [sflag:s11], $0x4000  }
0x61: {  	[sflag:s11] =	ssyncset.done $0x0  }
0x62: {  	[sflag:s11] =	ssyncadd.s32 $0xFFFFC000  }
0x63: {  	_ =	swait.ge [sflag:s17], $0x4000  }
0x64: {  	[sflag:s17] =	ssyncset.done $0x0  }
0x65: {  	s31 =	simm.s32 $0x80;
	[sflag:s17] =	ssyncadd.s32 $0xFFFFC000  }
0x66: {  	[spmem:s2] =	stream.indirect.scatter.add.f32 [tilespmem:s15], [sflag:$0x3], $0x80, s31, s13, $0xb8;
	[tilespmem:$0x1E400] =	vst v63  }
0x67: {  	_ =	swait.ge [sflag:s11], $0x4000  }
0x68: {  	s23 =	simm.s32 $0x800;
	s22 =	simm.s32 $0x100;
	[sflag:s11] =	ssyncset.done $0x0  }
.LBB2_4:
0x69: {  	s24 =	sadd.s32 $0x1400, s22  }
0x6a: {  	[sflag:s11] =	ssyncadd.s32 $0xFFFFC000;
	s25 =	smov.u32 s23;
	s26 =	sadd.s32 $0x400, s23  }
0x6b: {  	[tilespmem:s14], [sflag:$0x1] =	stream.indirect.gather [hbm4b:s4+s13], $0x80, s24, s13, $0xb8;
	[tilespmem:$0x1E400] =	vst v63  }
0x6c: {  	p0 =	sne.s32 s23, $0x4C00;
	s23 =	sadd.s32 $0x1480, s22  }
0x6d: {  	[tilespmem:s15], [sflag:$0x2] =	stream.indirect.gather [hbm4b:s4+s13], $0x80, s23, s13, $0xb8;
	[tilespmem:$0x1E400] =	vst v63  }
0x6e: {  	_ =	swait.ge [sflag:s16], $0x4000  }
0x6f: {  	[sflag:s16] =	ssyncset.done $0x0  }
0x70: {  	[sflag:s16] =	ssyncadd.s32 $0xFFFFC000  }
0x71: {  	[spmem:s2] =	stream.indirect.scatter.add.f32 [tilespmem:s14], [sflag:$0x3], $0x80, s22, s13, $0xb8;
	[tilespmem:$0x1E400] =	vst v63  }
0x72: {  	_ =	swait.ge [sflag:s11], $0x4000  }
0x73: {  	[sflag:s11] =	ssyncset.done $0x0  }
0x74: {  	[sflag:s11] =	ssyncadd.s32 $0xFFFFC000  }
0x75: {  	_ =	swait.ge [sflag:s17], $0x4000  }
.Ltmp1:
0x76: {  	[sflag:s17] =	ssyncset.done $0x0;
	(pc) =	sbr.rel @p0 .LBB2_4-.Ltmp1, $4  }
0x77: {  	s22 =	sadd.s32 $0x80, s22;
	[sflag:s17] =	ssyncadd.s32 $0xFFFFC000  }
0x78: {  	[spmem:s2] =	stream.indirect.scatter.add.f32 [tilespmem:s15], [sflag:$0x3], $0x80, s22, s13, $0xb8;
	[tilespmem:$0x1E400] =	vst v63  }
0x79: {  	_ =	swait.ge [sflag:s11], $0x4000  }
0x7a: {  	s23 =	smov.u32 s26;
	s22 =	sshra.s32 s25, $0x2;
	[sflag:s11] =	ssyncset.done $0x0  }
0x7b: {  	s23 =	sadd.s32 $0x1400, s22;
	[sflag:s11] =	ssyncadd.s32 $0xFFFFC000  }
0x7c: {  	[tilespmem:s14], [sflag:$0x1] =	stream.indirect.gather [hbm4b:s4+s13], $0x80, s23, s13, $0xb8;
	[tilespmem:$0x1E400] =	vst v63  }
0x7d: {  	s30 =	sadd.s32 $0x1480, s22  }
0x7e: {  	[tilespmem:s15], [sflag:$0x2] =	stream.indirect.gather [hbm4b:s4+s13], $0x80, s30, s13, $0xb8;
	[tilespmem:$0x1E400] =	vst v63  }
0x7f: {  	_ =	swait.ge [sflag:s16], $0x4000  }
0x80: {  	[sflag:s16] =	ssyncset.done $0x0  }
0x81: {  	[sflag:s16] =	ssyncadd.s32 $0xFFFFC000  }
0x82: {  	[spmem:s2] =	stream.indirect.scatter.add.f32 [tilespmem:s14], [sflag:$0x3], $0x80, s22, s13, $0xb8;
	[tilespmem:$0x1E400] =	vst v63  }
0x83: {  	_ =	swait.ge [sflag:s11], $0x4000  }
0x84: {  	[sflag:s11] =	ssyncset.done $0x0  }
0x85: {  	[sflag:s11] =	ssyncadd.s32 $0xFFFFC000  }
0x86: {  	_ =	swait.ge [sflag:s17], $0x4000  }
0x87: {  	[sflag:s17] =	ssyncset.done $0x0  }
0x88: {  	s31 =	sadd.s32 $0x80, s22;
	[sflag:s17] =	ssyncadd.s32 $0xFFFFC000  }
0x89: {  	[spmem:s2] =	stream.indirect.scatter.add.f32 [tilespmem:s15], [sflag:$0x3], $0x80, s31, s13, $0xb8;
	[tilespmem:$0x1E400] =	vst v63  }
0x8a: {  	_ =	swait.ge [sflag:s11], $0x4000  }
0x8b: {  	s21 =	sadd.s32 $0x1, s21;
	[sflag:s11] =	ssyncset.done $0x0  }
0x8c: {  	p0 =	sne.s32 s21, s9;
	[sflag:s11] =	ssyncadd.s32 $0xFFFFC000  }
.Ltmp2:
0x8d: {  	[bflag:$0x0] =	sbarrier.arrive $0xFFFF;
	(pc) =	sbr.rel @p0 .LBB2_1-.Ltmp2, $4  }
0x8e: {  	[hbm:s20], [sflag:s6] =	dma.local [spmem:s10], $0x2780  }
0x8f: {  	_ =	swait.ge [sflag:s11], $0x2780  }
0x90: {  	[sflag:s11] =	ssyncset.done $0x0  }
0x91: {  	[sflag:s11] =	ssyncadd.s32 $0xFFFFD880  }
0x92: {  	_ =	sfence.sel $0x180000  }
0x93: {  	[bflag:$0x0] =	sbarrier.arrive $0xFFFF  }
0x94: {  	p0 =	sne.s32 s0, $0x0;
	_ =	strace $0x9000004D  }
0x95: {  	s0 =	sadd.s32 @!p0 $0x100000, s1;
	[bflag:$0x2] =	sbarrier.arrive $0xFFFF  }
0x96: {  	[sflag:s0] =	ssyncadd.tile.s32 @!p0 $0x1;
	_ =	shalt  }
.Lfunc_end2:
_tile_overlayer_lowered:
.L_overlay_start_2:
0x97: {  	(tag) =	ssettag $0x2  }
0x98: {  	s0 =	rddreg [dreg:$0x0];
	s2 =	stileid.u32  }
0x99: {  	s1 =	rddreg [dreg:$0x1];
	p0 =	sne.s32 s2, $0x0  }
0x9a: {  	s3 =	rddreg [dreg:$0x2];
	[bflag:$0x3] =	sbarrier.arrive $0xFFFF;
	s2 =	simm.s32 @!p0 $0x1C03  }
0x9b: {  	[timem:s3], [sflag:s2] =	dma.local @!p0 [hbm:s0], s1  }
0x9c: {  	s0 =	simm.s32 @!p0 $0x3  }
0x9d: {  	_ =	swait.ge @!p0 [sflag:s0], s1  }
0x9e: {  	s1 =	ssub.s32 @!p0 $0x0, s1;
	[sflag:s0] =	ssyncset.done @!p0 $0x0  }
0x9f: {  	[sflag:s0] =	ssyncadd.s32 @!p0 s1  }
0xa0: {  	[bflag:$0x3] =	sbarrier.arrive $0xFFFF  }
0xa1: {  	_ =	shalt  }

// kernel: kernel.8.cloned.1.call-start
scs
__scs_entry_jumppad:
0x0: {  	(pc) =	sbr.rel $0x88, $3  }
0x1: {  	(tag) =	ssettag $0x0;
	lr =	simm.s32 $0x1  }
0x2: {  	[smem:$0x3F99] =	sst lr;
	_ =	strace $0xD0000000  }
0x3: {  	_ = 	snop  }
0x4: {  	_ = 	snop  }
0x5: {  	_ = 	snop  }
0x6: {  	_ = 	snop  }
0x7: {  	_ = 	snop  }
__scs_overlays_trampoline_lowered:
0x8: {  	[smem:$0x3FA8] =	sst s0  }
0x9: {  	[smem:$0x3FA9] =	sst s1  }
0xa: {  	[smem:$0x3FAA] =	sst s2  }
0xb: {  	[smem:$0x3FAB] =	sst s3  }
0xc: {  	[smem:$0x3FAC] =	sst s4  }
0xd: {  	[smem:$0x3FAD] =	sst s5  }
0xe: {  	[smem:$0x3FAE] =	sst s6  }
0xf: {  	[smem:$0x3FAF] =	sst s7  }
0x10: {  	[smem:$0x3FB0] =	sst s8  }
0x11: {  	[smem:$0x3FB1] =	sst s9;
	s0 =	simm.s32 @!p0 $0x0  }
0x12: {  	s1 =	sld [smem:$0x3F97];
	s0 =	simm.s32 @p0 $0x1  }
0x13: {  	[smem:$0x3FB2] =	sst s0;
	s0 =	simm.s32 @!p1 $0x0  }
0x14: {  	s2 =	sld [smem:$0x3F96];
	s0 =	simm.s32 @p1 $0x1  }
0x15: {  	[smem:$0x3FB3] =	sst s0;
	s0 =	simm.s32 @!p2 $0x0  }
0x16: {  	s3 =	sld [smem:$0x3FDB];
	s0 =	simm.s32 @p2 $0x1  }
0x17: {  	s4 =	simm.s32 $0x1BF5;
	[smem:$0x3FB5] =	sst s0  }
0x18: {  	s0 =	sld [smem:$0x3F98];
	_ =	swait.ge [sflag:s4], $0x0  }
0x19: {  	s7 =	sld [smem:$0x3F99]  }
0x1a: {  	s8 =	sadd.s32 $0xFFFFE003, lr  }
0x1b: {  	s9 =	sadd.s32 $0xFFFFFEF7, lr;
	s5 =	simm.s32 $0xFFFFFFFF;
	p2 =	slt.u32 s8, $0xFFFFF086  }
0x1c: {  	p1 =	slt.u32 s9, $0xF7A;
	s5 =	simm.s32 @!p2 $0x0  }
0x1d: {  	s5 =	simm.s32 @p1 $0x1;
	p0 =	seq.s32 s7, s2  }
0x1e: {  	s7 =	smul.u32 @!p0 $0xF7A, s2;
	p2 =	seq.s32 @!p0 s5, $0x0  }
0x1f: {  	s9 =	smul.u32 $0xF7A, s1;
	s8 =	simm.s32 @!p0 $0x1BF5;
	p2 =	por !p2, p0  }
0x20: {  	[sflag:s8] =	ssyncset.s32 @!p0 $0xFFFFF086;
	s6 =	sadd.s32 @!p0 s3, s7;
	s7 =	simm.s32 @!p0 $0x108  }
0x21: {  	s3 =	sadd.s32 s3, s9;
	s6 =	sadd.s32 @!p0 $0x88, s6;
	s7 =	simm.s32 @p2 $0x1082  }
0x22: {  	[simem:s7], [sflag:s8] =	dma.local @!p0 [hbm:s6], $0xF7A  }
0x23: {  	s9 =	sor.u32 $0xD0000000, s2;
	s6 =	simm.s32 $0x108;
	_ =	swait.ge @!p0 [sflag:s8], $0x0  }
0x24: {  	s3 =	sadd.s32 $0x88, s3;
	s6 =	simm.s32 @!p1 $0x1082;
	[sflag:s4] =	ssyncset.s32 $0xFFFFF086  }
0x25: {  	[simem:s6], [sflag:s4] =	dma.local [hbm:s3], $0xF7A  }
0x26: {  	[smem:$0x3F99] =	sst s1;
	(tag) =	ssettag s2;
	_ =	strace s9  }
0x27: {  	s1 =	sld [smem:$0x3FA9]  }
0x28: {  	s2 =	sld [smem:$0x3FAA]  }
0x29: {  	s4 =	sld [smem:$0x3FAC]  }
0x2a: {  	p0 =	seq.s32 s5, $0x0;
	s5 =	sld [smem:$0x3FAD]  }
0x2b: {  	s6 =	sld [smem:$0x3FAE]  }
0x2c: {  	s7 =	sld [smem:$0x3FAF]  }
0x2d: {  	s3 =	simm.s32 $0x108;
	s8 =	sld [smem:$0x3FB0]  }
0x2e: {  	s3 =	simm.s32 @!p0 $0x1082;
	s9 =	sld [smem:$0x3FB1]  }
0x2f: {  	lr =	sadd.s32 s0, s3;
	s0 =	sld [smem:$0x3FA8]  }
0x30: {  	s3 =	sld [smem:$0x3FAB]  }
0x31: {  	[smem:$0x3FB4] =	sst s10  }
0x32: {  	s10 =	sld [smem:$0x3FB2];
	_ =	sdelay $0x3  }
0x33: {  	p0 =	seq.s32 s10, $0x1;
	s10 =	sld [smem:$0x3FB4];
	_ =	sdelay $0x3  }
0x34: {  	[smem:$0x3FB4] =	sst s10  }
0x35: {  	s10 =	sld [smem:$0x3FB3];
	_ =	sdelay $0x3  }
0x36: {  	p1 =	seq.s32 s10, $0x1;
	s10 =	sld [smem:$0x3FB4];
	_ =	sdelay $0x3  }
0x37: {  	[smem:$0x3FB4] =	sst s10  }
0x38: {  	s10 =	sld [smem:$0x3FB5]  }
0x39: {  	_ = 	snop;
	(pc) =	sbr.ind lr, $3  }
0x3a: {  	_ = 	snop  }
0x3b: {  	_ = 	snop  }
0x3c: {  	p2 =	seq.s32 s10, $0x1;
	s10 =	sld [smem:$0x3FB4]  }
0x3d: {  	_ =	shalt  }
0x3e: {  	_ =	shalt  }
0x3f: {  	_ =	shalt  }
0x40: {  	_ =	shalt  }
0x41: {  	_ =	shalt  }
0x42: {  	_ =	shalt  }
0x43: {  	_ =	shalt  }
0x44: {  	_ =	shalt  }
0x45: {  	_ =	shalt  }
0x46: {  	_ =	shalt  }
0x47: {  	_ =	shalt  }
0x48: {  	_ =	shalt  }
0x49: {  	_ =	shalt  }
0x4a: {  	_ =	shalt  }
0x4b: {  	_ =	shalt  }
0x4c: {  	_ =	shalt  }
0x4d: {  	_ =	shalt  }
0x4e: {  	_ =	shalt  }
0x4f: {  	_ =	shalt  }
0x50: {  	_ =	shalt  }
0x51: {  	_ =	shalt  }
0x52: {  	_ =	shalt  }
0x53: {  	_ =	shalt  }
0x54: {  	_ =	shalt  }
0x55: {  	_ =	shalt  }
0x56: {  	_ =	shalt  }
0x57: {  	_ =	shalt  }
0x58: {  	_ =	shalt  }
0x59: {  	_ =	shalt  }
0x5a: {  	_ =	shalt  }
0x5b: {  	_ =	shalt  }
0x5c: {  	_ =	shalt  }
0x5d: {  	_ =	shalt  }
0x5e: {  	_ =	shalt  }
0x5f: {  	_ =	shalt  }
0x60: {  	_ =	shalt  }
0x61: {  	_ =	shalt  }
0x62: {  	_ =	shalt  }
0x63: {  	_ =	shalt  }
0x64: {  	_ =	shalt  }
0x65: {  	_ =	shalt  }
0x66: {  	_ =	shalt  }
0x67: {  	_ =	shalt  }
0x68: {  	_ =	shalt  }
0x69: {  	_ =	shalt  }
0x6a: {  	_ =	shalt  }
0x6b: {  	_ =	shalt  }
0x6c: {  	_ =	shalt  }
0x6d: {  	_ =	shalt  }
0x6e: {  	_ =	shalt  }
0x6f: {  	_ =	shalt  }
0x70: {  	_ =	shalt  }
0x71: {  	_ =	shalt  }
0x72: {  	_ =	shalt  }
0x73: {  	_ =	shalt  }
0x74: {  	_ =	shalt  }
0x75: {  	_ =	shalt  }
0x76: {  	_ =	shalt  }
0x77: {  	_ =	shalt  }
0x78: {  	_ =	shalt  }
0x79: {  	_ =	shalt  }
0x7a: {  	_ =	shalt  }
0x7b: {  	_ =	shalt  }
0x7c: {  	_ =	shalt  }
0x7d: {  	_ =	shalt  }
0x7e: {  	_ =	shalt  }
0x7f: {  	_ =	shalt  }
0x80: {  	_ =	shalt  }
0x81: {  	_ =	shalt  }
0x82: {  	_ =	shalt  }
0x83: {  	_ =	shalt  }
0x84: {  	_ =	shalt  }
0x85: {  	_ =	shalt  }
0x86: {  	_ =	shalt  }
0x87: {  	_ =	shalt  }
.Lfunc_end0:
.L_simem_size_0:
called_computation_lowered:
.L_overlay_start_0:
0x88: {  	s2 =	sld [smem:$0x3FD9]  }
0x89: {  	s3 =	sld [smem:$0x3FFE];
	_ =	sdelay $0x1  }
0x8a: {  	s1 =	srdreg.scid  }
0x8b: {  	s0 =	sand.u32 $0x1, s1  }
0x8c: {  	s17 =	sshll.u32 s0, $0xA;
	s2 =	sadd.s32 s3, s2  }
0x8d: {  	s2 =	sadd.s32 s2, s17  }
0x8e: {  	[smem:$0x3FC0] =	sst s2  }
0x8f: {  	_ = 	snop  }
0x90: {  	s2 =	sld [smem:$0x3FD0];
	(tm) =	ssettm $0x1  }
0x91: {  	s18 =	sld [smem:$0x3FFB];
	_ =	sdelay $0x3  }
0x92: {  	_ =	strace s18  }
0x93: {  	s3 =	sld [smem:$0x3FFC];
	_ =	sdelay $0x3  }
0x94: {  	_ =	strace s3  }
0x95: {  	s3 =	sld [smem:$0x3FFD];
	_ =	sdelay $0x3  }
0x96: {  	_ =	strace s3  }
0x97: {  	_ =	strace $0x8FFFFFFF  }
0x98: {  	s19 =	sld [smem:$0x3FDB];
	_ =	sdelay $0x1  }
0x99: {  	s4 =	simm.s32 $_scs_section_size  }
0x9a: {  	s5 =	simm.s32 $_size__tile_overlayer_lowered;
	s6 =	simm.s32 $_tile_overlayer_lowered  }
0x9b: {  	s22 =	simm.s32 $0x1BFF;
	s21 =	sshll.u32 s6, $0x1;
	s3 =	sadd.s32 s4, s19  }
0x9c: {  	s7 =	simm.s32 $0x0;
	s20 =	sshll.u32 s5, $0x1;
	s5 =	sadd.s32 s21, s3  }
0x9d: {  	[timem:s7], [sflag:s22] =	dma.local [hbm:s5], s20  }
0x9e: {  	_ =	swait.ge [sflag:s22], s20  }
0x9f: {  	s4 =	ssub.s32 $0x0, s20;
	[sflag:s22] =	ssyncset.done $0x0  }
0xa0: {  	[sflag:s22] =	ssyncadd.s32 s4;
	_ =	sdelay $0x1  }
0xa1: {  	s23 =	simm.s32 $0x1B8B  }
0xa2: {  	_ =	swait.ge [sflag:s23], $0x1  }
0xa3: {  	[sflag:s23] =	ssyncset.done $0x0  }
0xa4: {  	s25 =	simm.s32 $0x1B8E;
	s24 =	sld [smem:$0x3FFE];
	[sflag:s23] =	ssyncadd.s32 $0xFFFFFFFF  }
0xa5: {  	s26 =	simm.s32 $execute0_lowered;
	[smem:$0x3FD2] =	sst s25  }
0xa6: {  	s5 =	sshll.u32 s26, $0x1;
	_ =	strace $0x80000046;
	[dreg:$0x1] =	wrdreg $0xFFFFFFFF  }
0xa7: {  	s28 =	simm.s32 $_size_execute0_lowered;
	s3 =	sadd.s32 s3, s5;
	[dreg:$0x0] =	wrdreg $0x0  }
0xa8: {  	s5 =	sshll.u32 s28, $0x1;
	[dreg:$0x2] =	wrdreg s3  }
0xa9: {  	[dreg:$0x3] =	wrdreg s5  }
0xaa: {  	[dreg:$0x4] =	wrdreg $0xC0  }
0xab: {  	_ =	task [dreg:s7], $0x5FFFF  }
0xac: {  	[dreg:$0x1] =	wrdreg $0xFFFFFFFF  }
0xad: {  	[dreg:$0x0] =	wrdreg $0x60  }
0xae: {  	[dreg:$0x2] =	wrdreg s2  }
0xaf: {  	[dreg:$0x3] =	wrdreg s24  }
0xb0: {  	[dreg:$0x4] =	wrdreg $0x68000  }
0xb1: {  	[dreg:$0x5] =	wrdreg $0x9  }
0xb2: {  	_ =	task.clear_ibuf [dreg:s7], $0x6FFFF;
	_ =	strace $0x90000046  }
0xb3: {  	s29 =	simm.s32 $0x9;
	_ =	strace $0x80000048  }
0xb4: {  	_ =	swait.ge [sflag:s29], $0x1  }
0xb5: {  	[sflag:s29] =	ssyncadd.s32 $0xFFFFFFFF  }
0xb6: {  	_ =	strace $0x90000048  }
0xb7: {  	_ =	sfence  }
0xb8: {  	s30 =	sld [smem:$0x0];
	_ =	sdelay $0x2  }
0xb9: {  	s31 =	sshll.u32 s1, $0xD;
	s1 =	sshrl.u32 s1, $0x2  }
0xba: {  	s3 =	sand.u32 $0x4000, s31;
	s1 =	sadd.s32 s1, s30  }
0xbb: {  	s0 =	sor.u32 s3, s0;
	s1 =	sshll.u32 s1, $0x11  }
0xbc: {  	s0 =	sor.u32 s1, s0  }
0xbd: {  	s0 =	sadd.s32 $0x8F2B, s0  }
0xbe: {  	[sflag:s0] =	ssyncadd.remote.s32 $0x1  }
0xbf: {  	_ =	sfence.sel $0xFFFF  }
0xc0: {  	[dreg:$0x0] =	wrdreg $0xFFFFFFFF;
	(pc) =	sbr.abs _section_cstart, $3  }
0xc1: {  	[dreg:$0x1] =	wrdreg $0xFFFFFFFF  }
0xc2: {  	_ =	task.clear_ibuf [dreg:s7], $0x2FFFF;
	_ =	strace $0x9FFFFFFF  }
0xc3: {  	(tm) =	ssettm $0x7FFFFFFF  }
tec
execute0_lowered:
.L_overlay_start_1:
0x0: {  	(tag) =	ssettag $0x1  }
0x1: {  	s1 =	rddreg [dreg:$0x0]  }
0x2: {  	s0 =	srdreg.scid;
	s6 =	rddreg [dreg:$0x1]  }
0x3: {  	s3 =	rddreg [dreg:$0x2];
	s5 =	sand.u32 $0x1, s0;
	s0 =	stileid.u32  }
0x4: {  	s4 =	simm.s32 $0x0;
	s12 =	simm.s32 $0x80;
	s13 =	smul.u32 $0x2780, s0  }
0x5: {  	[smem:$0x7FF] =	sst s4;
	s2 =	sshll.u32 s5, $0x4;
	s8 =	smul.u32 $0x27800, s5  }
0x6: {  	s5 =	ssub.s32 $0x2, s5;
	s9 =	smul.u32 $0x4F000, s0;
	s31 =	sshll.u32 s0, $0x6  }
0x7: {  	s7 =	sor.u32 s0, s2;
	s2 =	rddreg [dreg:$0x3];
	_ =	strace $0x80000047  }
0x8: {  	s29 =	sshrl.u32 s5, $0x1;
	s7 =	smul.u32 $0x500, s7;
	s10 =	sadd.s32 s13, s6  }
0x9: {  	s8 =	sadd.s32 s8, s6;
	s11 =	ssub.s32 s5, s29;
	s30 =	sshrl.u32 s9, $0x2  }
0xa: {  	s9 =	sadd.s32 s30, s3;
	s5 =	sadd.s32 $0x16800, s10;
	s14 =	sadd.s32 $0x3E000, s8  }
0xb: {  	s8 =	smax.u32 s11, $0x1;
	s10 =	simm.s32 $0x1;
	s11 =	simm.s32 $0x2800  }
0xc: {  	s7 =	sadd.s32 s7, s6;
	s6 =	sor.u32 $0x1C01, s31;
	s9 =	sshrl.u32 s9, $0x3  }
0xd: {  	s13 =	sadd.s32 s13, s14;
	s14 =	simm.s32 $0x0;
	s7 =	sadd.s32 $0xC800, s7  }
.LBB2_1:
0xe: {  	[spmem:s9], [sflag:s6] =	dma.local [hbm:s5], $0x2780  }
0xf: {  	_ =	swait.ge [sflag:s10], $0x2780  }
0x10: {  	[sflag:s10] =	ssyncset.done $0x0  }
0x11: {  	[sflag:s10] =	ssyncadd.s32 $0xFFFFD880  }
0x12: {  	[bflag:$0x0] =	sbarrier.arrive $0xFFFF  }
0x13: {  	[tilespmem:s4], [sflag:$0x1] =	stream.linear.gather [hbm4b:s7+s4], $0x2800, $0x38;
	[tilespmem:$0x1A400] =	vst v63  }
0x14: {  	_ =	swait.ge [sflag:s10], $0x2800  }
0x15: {  	[sflag:s10] =	ssyncset.done $0x0  }
0x16: {  	[sflag:s10] =	ssyncadd.s32 $0xFFFFD800  }
0x17: {  	[tilespmem:s11], [sflag:$0x1] =	stream.linear.gather [hbm4b:s1+s4], $0x4000, $0x38;
	[tilespmem:$0x1A400] =	vst v63  }
0x18: {  	_ =	swait.ge [sflag:s10], $0x4000  }
0x19: {  	[sflag:s10] =	ssyncset.done $0x0  }
0x1a: {  	s15 =	simm.s32 $0x0;
	[sflag:s10] =	ssyncadd.s32 $0xFFFFC000  }
0x1b: {  	[spmem:s3] =	stream.indirect.scatter.add.f32 [tilespmem:s11], [sflag:$0x1], $0x80, s15, s12, $0xb8;
	[tilespmem:$0x1A400] =	vst v63  }
0x1c: {  	_ =	swait.ge [sflag:s10], $0x4000  }
0x1d: {  	s15 =	simm.s32 $0x200;
	[sflag:s10] =	ssyncset.done $0x0  }
.LBB2_2:
0x1e: {  	s16 =	sshra.s32 s15, $0x2;
	[sflag:s10] =	ssyncadd.s32 $0xFFFFC000;
	p0 =	sne.s32 s15, $0x9E00  }
0x1f: {  	[spmem:s3] =	stream.indirect.scatter.add.f32 [tilespmem:s11], [sflag:$0x1], $0x80, s16, s12, $0xb8;
	[tilespmem:$0x1A400] =	vst v63  }
.Ltmp0:
0x20: {  	_ = 	snop;
	(pc) =	sbr.rel @p0 .LBB2_2-.Ltmp0, $4  }
0x21: {  	_ = 	snop  }
0x22: {  	s15 =	sadd.s32 $0x200, s15  }
0x23: {  	_ =	swait.ge [sflag:s10], $0x4000  }
0x24: {  	[sflag:s10] =	ssyncset.done $0x0  }
0x25: {  	s14 =	sadd.s32 $0x1, s14  }
0x26: {  	[sflag:s10] =	ssyncadd.s32 $0xFFFFC000;
	p0 =	sne.s32 s14, s8  }
.Ltmp1:
0x27: {  	[bflag:$0x0] =	sbarrier.arrive $0xFFFF;
	(pc) =	sbr.rel @p0 .LBB2_1-.Ltmp1, $4  }
0x28: {  	[hbm:s13], [sflag:s6] =	dma.local [spmem:s9], $0x2780  }
0x29: {  	_ =	swait.ge [sflag:s10], $0x2780  }
0x2a: {  	[sflag:s10] =	ssyncset.done $0x0  }
0x2b: {  	[sflag:s10] =	ssyncadd.s32 $0xFFFFD880  }
0x2c: {  	_ =	sfence.sel $0x180000  }
0x2d: {  	[bflag:$0x0] =	sbarrier.arrive $0xFFFF  }
0x2e: {  	p0 =	sne.s32 s0, $0x0;
	_ =	strace $0x90000047  }
0x2f: {  	s0 =	sadd.s32 @!p0 $0x100000, s2;
	[bflag:$0x2] =	sbarrier.arrive $0xFFFF  }
0x30: {  	[sflag:s0] =	ssyncadd.tile.s32 @!p0 $0x1;
	_ =	shalt  }
.Lfunc_end2:
_tile_overlayer_lowered:
.L_overlay_start_2:
0x31: {  	(tag) =	ssettag $0x2  }
0x32: {  	s0 =	rddreg [dreg:$0x0];
	s2 =	stileid.u32  }
0x33: {  	s1 =	rddreg [dreg:$0x1];
	p0 =	sne.s32 s2, $0x0  }
0x34: {  	s3 =	rddreg [dreg:$0x2];
	[bflag:$0x3] =	sbarrier.arrive $0xFFFF;
	s2 =	simm.s32 @!p0 $0x1C01  }
0x35: {  	[timem:s3], [sflag:s2] =	dma.local @!p0 [hbm:s0], s1  }
0x36: {  	s0 =	simm.s32 @!p0 $0x1  }
0x37: {  	_ =	swait.ge @!p0 [sflag:s0], s1  }
0x38: {  	s1 =	ssub.s32 @!p0 $0x0, s1;
	[sflag:s0] =	ssyncset.done @!p0 $0x0  }
0x39: {  	[sflag:s0] =	ssyncadd.s32 @!p0 s1  }
0x3a: {  	[bflag:$0x3] =	sbarrier.arrive $0xFFFF  }
0x3b: {  	_ =	shalt  }

</sc_bundles>
